<compile_context>
chip_gen: v7x
topology: tpu7x:2x2x1
jax: 0.10.2.dev20260603
libtpu: 0.0.44.dev20260713+nightly
codegen_flags: <defaults>
</compile_context>

<pallas_src>
import functools
import math

import jax
import jax.numpy as jnp
from jax import lax
from jax.experimental import pallas as pl
from jax.experimental.pallas import tpu as pltpu
from jax.experimental.pallas import tpu_sc as plsc

TRUNC_R = 0.85
NEG = -70.0
NITER = 16
LN2 = 0.6931471805599453

B, C, P = 16, 2888, 1024
L = 16
NW = 32
GPB = P // L
JOBS = B * GPB
JPW = JOBS // NW
UNROLL = 8
CU = C // UNROLL


def _sc_compute(xbuf, qbuf, out_done_wait):
    zeros = jnp.zeros((L,), jnp.float32)

    def mx_body(i, accs):
        a0, a1, a2, a3 = accs
        base = i * UNROLL
        for k in range(0, UNROLL, 4):
            a0 = jnp.maximum(a0, xbuf[base + k])
            a1 = jnp.maximum(a1, xbuf[base + k + 1])
            a2 = jnp.maximum(a2, xbuf[base + k + 2])
            a3 = jnp.maximum(a3, xbuf[base + k + 3])
        return a0, a1, a2, a3
    m0, m1, m2, m3 = lax.fori_loop(
        0, CU, mx_body, (jnp.full((L,), -1e30, jnp.float32),) * 4)
    m = jnp.maximum(jnp.maximum(m0, m1), jnp.maximum(m2, m3))

    out_done_wait()

    def eq_body(i, accs):
        a0, a1 = accs
        base = i * UNROLL
        for k in range(0, UNROLL, 2):
            q0 = jnp.exp(xbuf[base + k] - m)
            q1 = jnp.exp(xbuf[base + k + 1] - m)
            qbuf[base + k] = q0
            qbuf[base + k + 1] = q1
            a0 = a0 + q0
            a1 = a1 + q1
        return a0, a1
    s0, s1 = lax.fori_loop(0, CU, eq_body, (zeros, zeros))
    s = s0 + s1
    rs = TRUNC_R * s

    bits = plsc.bitcast(s, jnp.int32)
    e = lax.shift_right_logical(bits, 23) - 127
    y = e.astype(jnp.float32) * LN2
    for _ in range(4):
        y = y - 1.0 + s * jnp.exp(-y)

    lo0 = y + math.log((1.0 - TRUNC_R) / C)
    hi0 = zeros

    def iter_body(_, carry):
        lo, hi = carry
        mid = 0.5 * (lo + hi)
        thr = jnp.exp(mid)

        def ms_body(i, accs):
            a0, a1, a2, a3 = accs
            base = i * UNROLL
            for k in range(0, UNROLL, 4):
                q0 = qbuf[base + k]
                q1 = qbuf[base + k + 1]
                q2 = qbuf[base + k + 2]
                q3 = qbuf[base + k + 3]
                a0 = a0 + jnp.where(q0 > thr, q0, 0.0)
                a1 = a1 + jnp.where(q1 > thr, q1, 0.0)
                a2 = a2 + jnp.where(q2 > thr, q2, 0.0)
                a3 = a3 + jnp.where(q3 > thr, q3, 0.0)
            return a0, a1, a2, a3
        g = lax.fori_loop(0, CU, ms_body, (zeros,) * 4)
        mass = (g[0] + g[1]) + (g[2] + g[3])
        pred = mass >= rs
        lo = jnp.where(pred, mid, lo)
        hi = jnp.where(pred, hi, mid)
        return lo, hi

    lo, hi = lax.fori_loop(0, NITER, iter_body, (lo0, hi0))
    thr = jnp.exp(lo)
    moff = m + y

    def fin_body(i, _):
        base = i * UNROLL
        for k in range(UNROLL):
            xc = xbuf[base + k]
            qc = qbuf[base + k]
            lx = jnp.minimum(jnp.maximum(xc - moff, NEG), 0.0)
            qbuf[base + k] = jnp.where(qc > thr, lx, NEG)
        return 0
    lax.fori_loop(0, CU, fin_body, 0)


def _tc_body(x_ref, o_ref):
    x = x_ref[0]
    m = jnp.max(x, axis=0, keepdims=True)
    q = jnp.exp(x - m)
    s = jnp.sum(q, axis=0, keepdims=True)
    rs = TRUNC_R * s
    lo = (1.0 - TRUNC_R) / x.shape[0] * s
    hi = jnp.ones_like(s)
    for _ in range(16):
        mid = jnp.sqrt(lo * hi)
        mass = jnp.sum(jnp.where(q > mid, q, 0.0), axis=0, keepdims=True)
        pred = mass >= rs
        lo = jnp.where(pred, mid, lo)
        hi = jnp.where(pred, hi, mid)
    logx = jnp.clip(x - (m + jnp.log(s)), NEG, 0.0)
    o_ref[0] = jnp.where(q > lo, logx, NEG)


BT = 12


def _make_sc_body(n_batches, b_off):
    gpb = P // L
    jobs = n_batches * gpb
    jpw = jobs // NW

    def body(x_hbm, out_hbm, xbuf, qbuf, sem_in, sem_out):
        cid = lax.axis_index("c")
        sid = lax.axis_index("s")
        wid = sid * 2 + cid

        def src(jid):
            b = jid // gpb
            p0 = (jid % gpb) * L
            return x_hbm.at[b + b_off, :, pl.ds(p0, L)]

        def dst(jid):
            b = jid // gpb
            p0 = (jid % gpb) * L
            return out_hbm.at[b, :, pl.ds(p0, L)]

        first = wid * jpw
        pltpu.async_copy(src(first), xbuf, sem_in)

        def job(j, _):
            jid = first + j
            pltpu.make_async_copy(src(jid), xbuf, sem_in).wait()

            def out_done_wait():
                @pl.when(j > 0)
                def _():
                    pltpu.make_async_copy(qbuf, dst(jid), sem_out).wait()

            _sc_compute(xbuf, qbuf, out_done_wait)
            pltpu.async_copy(qbuf, dst(jid), sem_out)

            @pl.when(j + 1 < jpw)
            def _():
                pltpu.async_copy(src(jid + 1), xbuf, sem_in)
            return 0

        lax.fori_loop(0, jpw, job, 0)
        pltpu.make_async_copy(qbuf, dst(first), sem_out).wait()

    return body


@jax.jit
def kernel(logits):
    sc_call = functools.partial(
        pl.kernel,
        mesh=plsc.VectorSubcoreMesh(core_axis_name="c", subcore_axis_name="s"),
        out_type=jax.ShapeDtypeStruct((B - BT, C, P), jnp.float32),
        scratch_types=[
            pltpu.VMEM((C, L), jnp.float32),
            pltpu.VMEM((C, L), jnp.float32),
            pltpu.SemaphoreType.DMA,
            pltpu.SemaphoreType.DMA,
        ],
        compiler_params=pltpu.CompilerParams(
            use_tc_tiling_on_sc=False, needs_layout_passes=False),
    )(_make_sc_body(B - BT, BT))
    sc_out = sc_call(logits)

    W = 512
    tc_out = pl.pallas_call(
        _tc_body,
        grid=(BT, P // W),
        in_specs=[pl.BlockSpec((1, C, W), lambda b, p: (b, 0, p))],
        out_specs=pl.BlockSpec((1, C, W), lambda b, p: (b, 0, p)),
        out_shape=jax.ShapeDtypeStruct((B, C, P), jnp.float32),
    )(logits)

    return lax.dynamic_update_slice(tc_out, sc_out, (BT, 0, 0))

# --- scband reference (transcript-rebuilt; emitter-appended) ---
"""Pipeline reference for scband-dalle-64957085385216 (READ-ONLY COPY).

The authoritative reference and input builder live on the scoring server;
editing this copy changes nothing except your own understanding.
"""

import jax, jax.numpy as jnp
import numpy as np

TRUNCATION_R = 0.85

def setup_inputs(seed: int = 0) -> dict:
    key = jax.random.key(seed)
    logits = jax.random.normal(key, (16, 2888, 1024), dtype=jnp.float32) * 2.0
    return {"logits": logits}

def reference(logits):
    # cf_predict_start normalization (guidance_scale==1 path -> plain log-softmax over class dim)
    log_x = logits - jax.scipy.special.logsumexp(logits, axis=1, keepdims=True)
    log_x = jnp.clip(log_x, -70.0, 0.0)
    # predict_start_with_truncation 'top0.85r' wrapper (nucleus truncation on log-probs)
    indices = jnp.argsort(-log_x, axis=1)                      # descending sort order along class dim
    temp = jnp.take_along_axis(log_x, indices, axis=1)         # sorted log-probs, descending
    temp1 = jnp.exp(temp)
    temp2 = jnp.cumsum(temp1, axis=1)
    temp3 = temp2 < TRUNCATION_R
    new_temp = jnp.ones_like(temp3[:, 0:1, :])                 # always keep the top-1 class
    temp6 = jnp.concatenate([new_temp, temp3], axis=1)
    temp3s = temp6[:, :-1, :]
    inv = jnp.argsort(indices, axis=1)                          # scatter mask back to original order
    temp4 = jnp.take_along_axis(temp3s, inv, axis=1)
    temp4f = temp4.astype(log_x.dtype)
    probs = temp4f * log_x + (1.0 - temp4f) * (-70.0)
    return probs

if __name__ == "__main__":
    import jax
    _d = setup_inputs()
    print(jax.jit(kernel)(*tuple(_d.values())))

</pallas_src>

<mosaic_0001>
#map = affine_map<(d0, d1) -> (0, 0, 0)>
module attributes {stable_mosaic.version = 14 : i64} {
  func.func @body(%arg0: i32, %arg1: i32, %arg2: memref<16x2888x1024xf32, #tpu.memory_space<hbm>>, %arg3: memref<4x2888x1024xf32, #tpu.memory_space<hbm>>, %arg4: memref<2888x16xf32, #tpu.memory_space<vmem>>, %arg5: memref<2888x16xf32, #tpu.memory_space<vmem>>, %arg6: memref<!tpu.dma_semaphore, #tpu.memory_space<semaphore_mem>>, %arg7: memref<!tpu.dma_semaphore, #tpu.memory_space<semaphore_mem>>) attributes {dimension_semantics = [#tpu.dimension_semantics<core_parallel>, #tpu.dimension_semantics<subcore_parallel>], iteration_bounds = array<i64: 2, 16>, scalar_prefetch = 0 : i64, scratch_operands = 4 : i64, tpu.core_type = #tpu.core_type<sc_vector_subcore>, window_params = [{transform_indices = #map}, {transform_indices = #map}]} {
    %mul3A = arith.constant 2 : i32
    %mul3A_0 = arith.muli %arg1, %mul3A : i32
    %add3A = arith.addi %mul3A_0, %arg0 : i32
    %mul3A_1 = arith.constant 8 : i32
    %mul3A_2 = arith.muli %add3A, %mul3A_1 : i32
    %jit3A = arith.constant 64 : i32
    %div3A = arith.divsi %mul3A_2, %jit3A : i32
    %sign3A = arith.constant 0 : i32
    %sign3A_3 = arith.cmpi sgt, %mul3A_2, %sign3A : i32
    %sign3A_4 = arith.extui %sign3A_3 : i1 to i32
    %sign3A_5 = arith.constant 0 : i32
    %sign3A_6 = arith.cmpi slt, %mul3A_2, %sign3A_5 : i32
    %sign3A_7 = arith.extui %sign3A_6 : i1 to i32
    %sign3A_8 = arith.subi %sign3A_4, %sign3A_7 : i32
    %sign3A_9 = arith.constant 0 : i32
    %sign3A_10 = arith.cmpi sgt, %jit3A, %sign3A_9 : i32
    %sign3A_11 = arith.extui %sign3A_10 : i1 to i32
    %sign3A_12 = arith.constant 0 : i32
    %sign3A_13 = arith.cmpi slt, %jit3A, %sign3A_12 : i32
    %sign3A_14 = arith.extui %sign3A_13 : i1 to i32
    %sign3A_15 = arith.subi %sign3A_11, %sign3A_14 : i32
    %ne3A = arith.cmpi ne, %sign3A_8, %sign3A_15 : i32
    %rem3A = arith.remsi %mul3A_2, %jit3A : i32
    %ne3A_16 = arith.constant 0 : i32
    %ne3A_17 = arith.cmpi ne, %rem3A, %ne3A_16 : i32
    %and3A = arith.andi %ne3A, %ne3A_17 : i1
    %sub3A = arith.constant 1 : i32
    %sub3A_18 = arith.subi %div3A, %sub3A : i32
    %select_n3A = arith.select %and3A, %sub3A_18, %div3A : i32
    %jit3A_19 = arith.constant 64 : i32
    %eq3A = arith.constant 0 : i32
    %eq3A_20 = arith.cmpi eq, %jit3A_19, %eq3A : i32
    %jit3A_21 = arith.constant 1 : i32
    %select_n3A_22 = arith.select %eq3A_20, %jit3A_21, %jit3A_19 : i32
    %rem3A_23 = arith.remsi %mul3A_2, %select_n3A_22 : i32
    %ne3A_24 = arith.constant 0 : i32
    %ne3A_25 = arith.cmpi ne, %rem3A_23, %ne3A_24 : i32
    %lt3A = arith.constant 0 : i32
    %lt3A_26 = arith.cmpi slt, %rem3A_23, %lt3A : i32
    %lt3A_27 = arith.constant 0 : i32
    %lt3A_28 = arith.cmpi slt, %select_n3A_22, %lt3A_27 : i32
    %ne3A_29 = arith.xori %lt3A_26, %lt3A_28 : i1
    %and3A_30 = arith.andi %ne3A_29, %ne3A_25 : i1
    %add3A_31 = arith.addi %rem3A_23, %select_n3A_22 : i32
    %select_n3A_32 = arith.select %and3A_30, %add3A_31, %rem3A_23 : i32
    %mul3A_33 = arith.constant 16 : i32
    %mul3A_34 = arith.muli %select_n3A_32, %mul3A_33 : i32
    %add3A_35 = arith.constant 12 : i32
    %add3A_36 = arith.addi %select_n3A, %add3A_35 : i32
    %dma_start3A = arith.constant 0 : i32
    %dma_start3A_37 = tpu.memref_slice %arg2[%add3A_36, %dma_start3A, %mul3A_34] : memref<16x2888x1024xf32, #tpu.memory_space<hbm>> -> memref<1x2888x16xf32, #tpu.memory_space<hbm>>
    %dma_start3A_38 = tpu.memref_squeeze %dma_start3A_37 : memref<1x2888x16xf32, #tpu.memory_space<hbm>> -> memref<2888x16xf32, #tpu.memory_space<hbm>>
    %dma_start3A_39 = arith.constant 0 : i32
    %dma_start3A_40 = tpu.memref_slice %arg2[%add3A_36, %dma_start3A_39, %mul3A_34] : memref<16x2888x1024xf32, #tpu.memory_space<hbm>> -> memref<1x2888x16xf32, #tpu.memory_space<hbm>>
    %dma_start3A_41 = tpu.memref_squeeze %dma_start3A_40 : memref<1x2888x16xf32, #tpu.memory_space<hbm>> -> memref<2888x16xf32, #tpu.memory_space<hbm>>
    tpu.enqueue_dma source(%dma_start3A_41 : memref<2888x16xf32, #tpu.memory_space<hbm>>) target(%arg4 : memref<2888x16xf32, #tpu.memory_space<vmem>>) target_semaphore(%arg6 : memref<!tpu.dma_semaphore, #tpu.memory_space<semaphore_mem>>)
    %scan3A = arith.constant 0 : i32
    %scan3A_42 = arith.constant 0 : i32
    %scan3A_43 = arith.constant 8 : i32
    %scan3A_44 = arith.addi %scan3A_42, %scan3A_43 : i32
    %scan3A_45 = arith.constant 1 : i32
    %scan3A_46 = scf.for %scan3A_95 = %scan3A_42 to %scan3A_44 step %scan3A_45 iter_args(%scan3A_96 = %scan3A) -> (i32)  : i32 {
      %add3A_97 = arith.addi %mul3A_2, %scan3A_95 : i32
      %jit3A_98 = arith.constant 64 : i32
      %div3A_99 = arith.divsi %add3A_97, %jit3A_98 : i32
      %sign3A_100 = arith.constant 0 : i32
      %sign3A_101 = arith.cmpi sgt, %add3A_97, %sign3A_100 : i32
      %sign3A_102 = arith.extui %sign3A_101 : i1 to i32
      %sign3A_103 = arith.constant 0 : i32
      %sign3A_104 = arith.cmpi slt, %add3A_97, %sign3A_103 : i32
      %sign3A_105 = arith.extui %sign3A_104 : i1 to i32
      %sign3A_106 = arith.subi %sign3A_102, %sign3A_105 : i32
      %sign3A_107 = arith.constant 0 : i32
      %sign3A_108 = arith.cmpi sgt, %jit3A_98, %sign3A_107 : i32
      %sign3A_109 = arith.extui %sign3A_108 : i1 to i32
      %sign3A_110 = arith.constant 0 : i32
      %sign3A_111 = arith.cmpi slt, %jit3A_98, %sign3A_110 : i32
      %sign3A_112 = arith.extui %sign3A_111 : i1 to i32
      %sign3A_113 = arith.subi %sign3A_109, %sign3A_112 : i32
      %ne3A_114 = arith.cmpi ne, %sign3A_106, %sign3A_113 : i32
      %rem3A_115 = arith.remsi %add3A_97, %jit3A_98 : i32
      %ne3A_116 = arith.constant 0 : i32
      %ne3A_117 = arith.cmpi ne, %rem3A_115, %ne3A_116 : i32
      %and3A_118 = arith.andi %ne3A_114, %ne3A_117 : i1
      %sub3A_119 = arith.constant 1 : i32
      %sub3A_120 = arith.subi %div3A_99, %sub3A_119 : i32
      %select_n3A_121 = arith.select %and3A_118, %sub3A_120, %div3A_99 : i32
      %jit3A_122 = arith.constant 64 : i32
      %eq3A_123 = arith.constant 0 : i32
      %eq3A_124 = arith.cmpi eq, %jit3A_122, %eq3A_123 : i32
      %jit3A_125 = arith.constant 1 : i32
      %select_n3A_126 = arith.select %eq3A_124, %jit3A_125, %jit3A_122 : i32
      %rem3A_127 = arith.remsi %add3A_97, %select_n3A_126 : i32
      %ne3A_128 = arith.constant 0 : i32
      %ne3A_129 = arith.cmpi ne, %rem3A_127, %ne3A_128 : i32
      %lt3A_130 = arith.constant 0 : i32
      %lt3A_131 = arith.cmpi slt, %rem3A_127, %lt3A_130 : i32
      %lt3A_132 = arith.constant 0 : i32
      %lt3A_133 = arith.cmpi slt, %select_n3A_126, %lt3A_132 : i32
      %ne3A_134 = arith.xori %lt3A_131, %lt3A_133 : i1
      %and3A_135 = arith.andi %ne3A_134, %ne3A_129 : i1
      %add3A_136 = arith.addi %rem3A_127, %select_n3A_126 : i32
      %select_n3A_137 = arith.select %and3A_135, %add3A_136, %rem3A_127 : i32
      %mul3A_138 = arith.constant 16 : i32
      %mul3A_139 = arith.muli %select_n3A_137, %mul3A_138 : i32
      %add3A_140 = arith.constant 12 : i32
      %add3A_141 = arith.addi %select_n3A_121, %add3A_140 : i32
      %dma_wait3A_142 = arith.constant 0 : i32
      %dma_wait3A_143 = tpu.memref_slice %arg2[%add3A_141, %dma_wait3A_142, %mul3A_139] : memref<16x2888x1024xf32, #tpu.memory_space<hbm>> -> memref<1x2888x16xf32, #tpu.memory_space<hbm>>
      %dma_wait3A_144 = tpu.memref_squeeze %dma_wait3A_143 : memref<1x2888x16xf32, #tpu.memory_space<hbm>> -> memref<2888x16xf32, #tpu.memory_space<hbm>>
      %dma_wait3A_145 = arith.constant 0 : i32
      %dma_wait3A_146 = tpu.memref_slice %arg2[%add3A_141, %dma_wait3A_145, %mul3A_139] : memref<16x2888x1024xf32, #tpu.memory_space<hbm>> -> memref<1x2888x16xf32, #tpu.memory_space<hbm>>
      %dma_wait3A_147 = tpu.memref_squeeze %dma_wait3A_146 : memref<1x2888x16xf32, #tpu.memory_space<hbm>> -> memref<2888x16xf32, #tpu.memory_space<hbm>>
      tpu.wait_dma2 semaphore(%arg6 : memref<!tpu.dma_semaphore, #tpu.memory_space<semaphore_mem>>) src(%dma_wait3A_147 : memref<2888x16xf32, #tpu.memory_space<hbm>>) dst(%arg4 : memref<2888x16xf32, #tpu.memory_space<vmem>>)
      %broadcast_in_dim3A = arith.constant 0.000000e+00 : f32
      %broadcast_in_dim3A_148 = vector.broadcast %broadcast_in_dim3A : f32 to vector<16xf32>
      %broadcast_in_dim3A_149 = arith.constant -1.000000e+30 : f32
      %broadcast_in_dim3A_150 = vector.broadcast %broadcast_in_dim3A_149 : f32 to vector<16xf32>
      %scan3A_151 = arith.constant 0 : i32
      %scan3A_152 = arith.constant 361 : i32
      %scan3A_153 = arith.addi %scan3A_151, %scan3A_152 : i32
      %scan3A_154 = arith.constant 1 : i32
      %scan3A_155:4 = scf.for %scan3A_288 = %scan3A_151 to %scan3A_153 step %scan3A_154 iter_args(%scan3A_289 = %broadcast_in_dim3A_150, %scan3A_290 = %broadcast_in_dim3A_150, %scan3A_291 = %broadcast_in_dim3A_150, %scan3A_292 = %broadcast_in_dim3A_150) -> (vector<16xf32>, vector<16xf32>, vector<16xf32>, vector<16xf32>)  : i32 {
        %mul3A_293 = arith.constant 8 : i32
        %mul3A_294 = arith.muli %scan3A_288, %mul3A_293 : i32
        %add3A_295 = arith.constant 0 : i32
        %add3A_296 = arith.addi %mul3A_294, %add3A_295 : i32
        %get3A = arith.index_cast %add3A_296 : i32 to index
        %get3A_297 = arith.constant 0 : index
        %get3A_298 = tpu.vector_load %arg4[%get3A, %get3A_297] {strides = array<i32>} : memref<2888x16xf32, #tpu.memory_space<vmem>>, vector<16xf32>,
        %max3A_299 = arith.maximumf %scan3A_289, %get3A_298 : vector<16xf32>
        %add3A_300 = arith.constant 0 : i32
        %add3A_301 = arith.addi %mul3A_294, %add3A_300 : i32
        %add3A_302 = arith.constant 1 : i32
        %add3A_303 = arith.addi %add3A_301, %add3A_302 : i32
        %get3A_304 = arith.index_cast %add3A_303 : i32 to index
        %get3A_305 = arith.constant 0 : index
        %get3A_306 = tpu.vector_load %arg4[%get3A_304, %get3A_305] {strides = array<i32>} : memref<2888x16xf32, #tpu.memory_space<vmem>>, vector<16xf32>,
        %max3A_307 = arith.maximumf %scan3A_290, %get3A_306 : vector<16xf32>
        %add3A_308 = arith.constant 0 : i32
        %add3A_309 = arith.addi %mul3A_294, %add3A_308 : i32
        %add3A_310 = arith.constant 2 : i32
        %add3A_311 = arith.addi %add3A_309, %add3A_310 : i32
        %get3A_312 = arith.index_cast %add3A_311 : i32 to index
        %get3A_313 = arith.constant 0 : index
        %get3A_314 = tpu.vector_load %arg4[%get3A_312, %get3A_313] {strides = array<i32>} : memref<2888x16xf32, #tpu.memory_space<vmem>>, vector<16xf32>,
        %max3A_315 = arith.maximumf %scan3A_291, %get3A_314 : vector<16xf32>
        %add3A_316 = arith.constant 0 : i32
        %add3A_317 = arith.addi %mul3A_294, %add3A_316 : i32
        %add3A_318 = arith.constant 3 : i32
        %add3A_319 = arith.addi %add3A_317, %add3A_318 : i32
        %get3A_320 = arith.index_cast %add3A_319 : i32 to index
        %get3A_321 = arith.constant 0 : index
        %get3A_322 = tpu.vector_load %arg4[%get3A_320, %get3A_321] {strides = array<i32>} : memref<2888x16xf32, #tpu.memory_space<vmem>>, vector<16xf32>,
        %max3A_323 = arith.maximumf %scan3A_292, %get3A_322 : vector<16xf32>
        %add3A_324 = arith.constant 4 : i32
        %add3A_325 = arith.addi %mul3A_294, %add3A_324 : i32
        %get3A_326 = arith.index_cast %add3A_325 : i32 to index
        %get3A_327 = arith.constant 0 : index
        %get3A_328 = tpu.vector_load %arg4[%get3A_326, %get3A_327] {strides = array<i32>} : memref<2888x16xf32, #tpu.memory_space<vmem>>, vector<16xf32>,
        %max3A_329 = arith.maximumf %max3A_299, %get3A_328 : vector<16xf32>
        %add3A_330 = arith.constant 4 : i32
        %add3A_331 = arith.addi %mul3A_294, %add3A_330 : i32
        %add3A_332 = arith.constant 1 : i32
        %add3A_333 = arith.addi %add3A_331, %add3A_332 : i32
        %get3A_334 = arith.index_cast %add3A_333 : i32 to index
        %get3A_335 = arith.constant 0 : index
        %get3A_336 = tpu.vector_load %arg4[%get3A_334, %get3A_335] {strides = array<i32>} : memref<2888x16xf32, #tpu.memory_space<vmem>>, vector<16xf32>,
        %max3A_337 = arith.maximumf %max3A_307, %get3A_336 : vector<16xf32>
        %add3A_338 = arith.constant 4 : i32
        %add3A_339 = arith.addi %mul3A_294, %add3A_338 : i32
        %add3A_340 = arith.constant 2 : i32
        %add3A_341 = arith.addi %add3A_339, %add3A_340 : i32
        %get3A_342 = arith.index_cast %add3A_341 : i32 to index
        %get3A_343 = arith.constant 0 : index
        %get3A_344 = tpu.vector_load %arg4[%get3A_342, %get3A_343] {strides = array<i32>} : memref<2888x16xf32, #tpu.memory_space<vmem>>, vector<16xf32>,
        %max3A_345 = arith.maximumf %max3A_315, %get3A_344 : vector<16xf32>
        %add3A_346 = arith.constant 4 : i32
        %add3A_347 = arith.addi %mul3A_294, %add3A_346 : i32
        %add3A_348 = arith.constant 3 : i32
        %add3A_349 = arith.addi %add3A_347, %add3A_348 : i32
        %get3A_350 = arith.index_cast %add3A_349 : i32 to index
        %get3A_351 = arith.constant 0 : index
        %get3A_352 = tpu.vector_load %arg4[%get3A_350, %get3A_351] {strides = array<i32>} : memref<2888x16xf32, #tpu.memory_space<vmem>>, vector<16xf32>,
        %max3A_353 = arith.maximumf %max3A_323, %get3A_352 : vector<16xf32>
        scf.yield %max3A_329, %max3A_337, %max3A_345, %max3A_353 : vector<16xf32>, vector<16xf32>, vector<16xf32>, vector<16xf32>
      }
      %scan3A_156 = arith.constant 361 : i32
      %max3A = arith.maximumf %scan3A_155#0, %scan3A_155#1 : vector<16xf32>
      %max3A_157 = arith.maximumf %scan3A_155#2, %scan3A_155#3 : vector<16xf32>
      %max3A_158 = arith.maximumf %max3A, %max3A_157 : vector<16xf32>
      %gt3A = arith.constant 0 : i32
      %gt3A_159 = arith.cmpi sgt, %scan3A_95, %gt3A : i32
      %convert_element_type3A = arith.extui %gt3A_159 : i1 to i32
      %cond3A = arith.constant 0 : i32
      %cond3A_160 = arith.cmpi ne, %convert_element_type3A, %cond3A : i32
      scf.if %cond3A_160 {
        %jit3A_288 = arith.constant 64 : i32
        %div3A_289 = arith.divsi %add3A_97, %jit3A_288 : i32
        %sign3A_290 = arith.constant 0 : i32
        %sign3A_291 = arith.cmpi sgt, %add3A_97, %sign3A_290 : i32
        %sign3A_292 = arith.extui %sign3A_291 : i1 to i32
        %sign3A_293 = arith.constant 0 : i32
        %sign3A_294 = arith.cmpi slt, %add3A_97, %sign3A_293 : i32
        %sign3A_295 = arith.extui %sign3A_294 : i1 to i32
        %sign3A_296 = arith.subi %sign3A_292, %sign3A_295 : i32
        %sign3A_297 = arith.constant 0 : i32
        %sign3A_298 = arith.cmpi sgt, %jit3A_288, %sign3A_297 : i32
        %sign3A_299 = arith.extui %sign3A_298 : i1 to i32
        %sign3A_300 = arith.constant 0 : i32
        %sign3A_301 = arith.cmpi slt, %jit3A_288, %sign3A_300 : i32
        %sign3A_302 = arith.extui %sign3A_301 : i1 to i32
        %sign3A_303 = arith.subi %sign3A_299, %sign3A_302 : i32
        %ne3A_304 = arith.cmpi ne, %sign3A_296, %sign3A_303 : i32
        %rem3A_305 = arith.remsi %add3A_97, %jit3A_288 : i32
        %ne3A_306 = arith.constant 0 : i32
        %ne3A_307 = arith.cmpi ne, %rem3A_305, %ne3A_306 : i32
        %and3A_308 = arith.andi %ne3A_304, %ne3A_307 : i1
        %sub3A_309 = arith.constant 1 : i32
        %sub3A_310 = arith.subi %div3A_289, %sub3A_309 : i32
        %select_n3A_311 = arith.select %and3A_308, %sub3A_310, %div3A_289 : i32
        %jit3A_312 = arith.constant 64 : i32
        %eq3A_313 = arith.constant 0 : i32
        %eq3A_314 = arith.cmpi eq, %jit3A_312, %eq3A_313 : i32
        %jit3A_315 = arith.constant 1 : i32
        %select_n3A_316 = arith.select %eq3A_314, %jit3A_315, %jit3A_312 : i32
        %rem3A_317 = arith.remsi %add3A_97, %select_n3A_316 : i32
        %ne3A_318 = arith.constant 0 : i32
        %ne3A_319 = arith.cmpi ne, %rem3A_317, %ne3A_318 : i32
        %lt3A_320 = arith.constant 0 : i32
        %lt3A_321 = arith.cmpi slt, %rem3A_317, %lt3A_320 : i32
        %lt3A_322 = arith.constant 0 : i32
        %lt3A_323 = arith.cmpi slt, %select_n3A_316, %lt3A_322 : i32
        %ne3A_324 = arith.xori %lt3A_321, %lt3A_323 : i1
        %and3A_325 = arith.andi %ne3A_324, %ne3A_319 : i1
        %add3A_326 = arith.addi %rem3A_317, %select_n3A_316 : i32
        %select_n3A_327 = arith.select %and3A_325, %add3A_326, %rem3A_317 : i32
        %mul3A_328 = arith.constant 16 : i32
        %mul3A_329 = arith.muli %select_n3A_327, %mul3A_328 : i32
        %dma_wait3A_330 = arith.constant 0 : i32
        %dma_wait3A_331 = tpu.memref_slice %arg3[%select_n3A_311, %dma_wait3A_330, %mul3A_329] : memref<4x2888x1024xf32, #tpu.memory_space<hbm>> -> memref<1x2888x16xf32, #tpu.memory_space<hbm>>
        %dma_wait3A_332 = tpu.memref_squeeze %dma_wait3A_331 : memref<1x2888x16xf32, #tpu.memory_space<hbm>> -> memref<2888x16xf32, #tpu.memory_space<hbm>>
        %dma_wait3A_333 = arith.constant 0 : i32
        %dma_wait3A_334 = tpu.memref_slice %arg3[%select_n3A_311, %dma_wait3A_333, %mul3A_329] : memref<4x2888x1024xf32, #tpu.memory_space<hbm>> -> memref<1x2888x16xf32, #tpu.memory_space<hbm>>
        %dma_wait3A_335 = tpu.memref_squeeze %dma_wait3A_334 : memref<1x2888x16xf32, #tpu.memory_space<hbm>> -> memref<2888x16xf32, #tpu.memory_space<hbm>>
        tpu.wait_dma2 semaphore(%arg7 : memref<!tpu.dma_semaphore, #tpu.memory_space<semaphore_mem>>) src(%arg5 : memref<2888x16xf32, #tpu.memory_space<vmem>>) dst(%dma_wait3A_335 : memref<2888x16xf32, #tpu.memory_space<hbm>>)
      } else {
      }
      %scan3A_161 = arith.constant 0 : i32
      %scan3A_162 = arith.constant 361 : i32
      %scan3A_163 = arith.addi %scan3A_161, %scan3A_162 : i32
      %scan3A_164 = arith.constant 1 : i32
      %scan3A_165:2 = scf.for %scan3A_288 = %scan3A_161 to %scan3A_163 step %scan3A_164 iter_args(%scan3A_289 = %broadcast_in_dim3A_148, %scan3A_290 = %broadcast_in_dim3A_148) -> (vector<16xf32>, vector<16xf32>)  : i32 {
        %mul3A_291 = arith.constant 8 : i32
        %mul3A_292 = arith.muli %scan3A_288, %mul3A_291 : i32
        %add3A_293 = arith.constant 0 : i32
        %add3A_294 = arith.addi %mul3A_292, %add3A_293 : i32
        %get3A = arith.index_cast %add3A_294 : i32 to index
        %get3A_295 = arith.constant 0 : index
        %get3A_296 = tpu.vector_load %arg4[%get3A, %get3A_295] {strides = array<i32>} : memref<2888x16xf32, #tpu.memory_space<vmem>>, vector<16xf32>,
        %sub3A_297 = arith.subf %get3A_296, %max3A_158 : vector<16xf32>
        %exp3A_298 = math.exp %sub3A_297 : vector<16xf32>
        %add3A_299 = arith.constant 0 : i32
        %add3A_300 = arith.addi %mul3A_292, %add3A_299 : i32
        %add3A_301 = arith.constant 1 : i32
        %add3A_302 = arith.addi %add3A_300, %add3A_301 : i32
        %get3A_303 = arith.index_cast %add3A_302 : i32 to index
        %get3A_304 = arith.constant 0 : index
        %get3A_305 = tpu.vector_load %arg4[%get3A_303, %get3A_304] {strides = array<i32>} : memref<2888x16xf32, #tpu.memory_space<vmem>>, vector<16xf32>,
        %sub3A_306 = arith.subf %get3A_305, %max3A_158 : vector<16xf32>
        %exp3A_307 = math.exp %sub3A_306 : vector<16xf32>
        %add3A_308 = arith.constant 0 : i32
        %add3A_309 = arith.addi %mul3A_292, %add3A_308 : i32
        %swap3A = arith.index_cast %add3A_309 : i32 to index
        %swap3A_310 = arith.constant 0 : index
        %swap3A_311 = tpu.vector_load %arg5[%swap3A, %swap3A_310] {strides = array<i32>} : memref<2888x16xf32, #tpu.memory_space<vmem>>, vector<16xf32>,
        tpu.vector_store %arg5[%swap3A, %swap3A_310], %exp3A_298 {strides = array<i32>} : memref<2888x16xf32, #tpu.memory_space<vmem>>, vector<16xf32>,
        %add3A_312 = arith.constant 0 : i32
        %add3A_313 = arith.addi %mul3A_292, %add3A_312 : i32
        %add3A_314 = arith.constant 1 : i32
        %add3A_315 = arith.addi %add3A_313, %add3A_314 : i32
        %swap3A_316 = arith.index_cast %add3A_315 : i32 to index
        %swap3A_317 = arith.constant 0 : index
        %swap3A_318 = tpu.vector_load %arg5[%swap3A_316, %swap3A_317] {strides = array<i32>} : memref<2888x16xf32, #tpu.memory_space<vmem>>, vector<16xf32>,
        tpu.vector_store %arg5[%swap3A_316, %swap3A_317], %exp3A_307 {strides = array<i32>} : memref<2888x16xf32, #tpu.memory_space<vmem>>, vector<16xf32>,
        %add3A_319 = arith.addf %scan3A_289, %exp3A_298 : vector<16xf32>
        %add3A_320 = arith.addf %scan3A_290, %exp3A_307 : vector<16xf32>
        %add3A_321 = arith.constant 2 : i32
        %add3A_322 = arith.addi %mul3A_292, %add3A_321 : i32
        %get3A_323 = arith.index_cast %add3A_322 : i32 to index
        %get3A_324 = arith.constant 0 : index
        %get3A_325 = tpu.vector_load %arg4[%get3A_323, %get3A_324] {strides = array<i32>} : memref<2888x16xf32, #tpu.memory_space<vmem>>, vector<16xf32>,
        %sub3A_326 = arith.subf %get3A_325, %max3A_158 : vector<16xf32>
        %exp3A_327 = math.exp %sub3A_326 : vector<16xf32>
        %add3A_328 = arith.constant 2 : i32
        %add3A_329 = arith.addi %mul3A_292, %add3A_328 : i32
        %add3A_330 = arith.constant 1 : i32
        %add3A_331 = arith.addi %add3A_329, %add3A_330 : i32
        %get3A_332 = arith.index_cast %add3A_331 : i32 to index
        %get3A_333 = arith.constant 0 : index
        %get3A_334 = tpu.vector_load %arg4[%get3A_332, %get3A_333] {strides = array<i32>} : memref<2888x16xf32, #tpu.memory_space<vmem>>, vector<16xf32>,
        %sub3A_335 = arith.subf %get3A_334, %max3A_158 : vector<16xf32>
        %exp3A_336 = math.exp %sub3A_335 : vector<16xf32>
        %add3A_337 = arith.constant 2 : i32
        %add3A_338 = arith.addi %mul3A_292, %add3A_337 : i32
        %swap3A_339 = arith.index_cast %add3A_338 : i32 to index
        %swap3A_340 = arith.constant 0 : index
        %swap3A_341 = tpu.vector_load %arg5[%swap3A_339, %swap3A_340] {strides = array<i32>} : memref<2888x16xf32, #tpu.memory_space<vmem>>, vector<16xf32>,
        tpu.vector_store %arg5[%swap3A_339, %swap3A_340], %exp3A_327 {strides = array<i32>} : memref<2888x16xf32, #tpu.memory_space<vmem>>, vector<16xf32>,
        %add3A_342 = arith.constant 2 : i32
        %add3A_343 = arith.addi %mul3A_292, %add3A_342 : i32
        %add3A_344 = arith.constant 1 : i32
        %add3A_345 = arith.addi %add3A_343, %add3A_344 : i32
        %swap3A_346 = arith.index_cast %add3A_345 : i32 to index
        %swap3A_347 = arith.constant 0 : index
        %swap3A_348 = tpu.vector_load %arg5[%swap3A_346, %swap3A_347] {strides = array<i32>} : memref<2888x16xf32, #tpu.memory_space<vmem>>, vector<16xf32>,
        tpu.vector_store %arg5[%swap3A_346, %swap3A_347], %exp3A_336 {strides = array<i32>} : memref<2888x16xf32, #tpu.memory_space<vmem>>, vector<16xf32>,
        %add3A_349 = arith.addf %add3A_319, %exp3A_327 : vector<16xf32>
        %add3A_350 = arith.addf %add3A_320, %exp3A_336 : vector<16xf32>
        %add3A_351 = arith.constant 4 : i32
        %add3A_352 = arith.addi %mul3A_292, %add3A_351 : i32
        %get3A_353 = arith.index_cast %add3A_352 : i32 to index
        %get3A_354 = arith.constant 0 : index
        %get3A_355 = tpu.vector_load %arg4[%get3A_353, %get3A_354] {strides = array<i32>} : memref<2888x16xf32, #tpu.memory_space<vmem>>, vector<16xf32>,
        %sub3A_356 = arith.subf %get3A_355, %max3A_158 : vector<16xf32>
        %exp3A_357 = math.exp %sub3A_356 : vector<16xf32>
        %add3A_358 = arith.constant 4 : i32
        %add3A_359 = arith.addi %mul3A_292, %add3A_358 : i32
        %add3A_360 = arith.constant 1 : i32
        %add3A_361 = arith.addi %add3A_359, %add3A_360 : i32
        %get3A_362 = arith.index_cast %add3A_361 : i32 to index
        %get3A_363 = arith.constant 0 : index
        %get3A_364 = tpu.vector_load %arg4[%get3A_362, %get3A_363] {strides = array<i32>} : memref<2888x16xf32, #tpu.memory_space<vmem>>, vector<16xf32>,
        %sub3A_365 = arith.subf %get3A_364, %max3A_158 : vector<16xf32>
        %exp3A_366 = math.exp %sub3A_365 : vector<16xf32>
        %add3A_367 = arith.constant 4 : i32
        %add3A_368 = arith.addi %mul3A_292, %add3A_367 : i32
        %swap3A_369 = arith.index_cast %add3A_368 : i32 to index
        %swap3A_370 = arith.constant 0 : index
        %swap3A_371 = tpu.vector_load %arg5[%swap3A_369, %swap3A_370] {strides = array<i32>} : memref<2888x16xf32, #tpu.memory_space<vmem>>, vector<16xf32>,
        tpu.vector_store %arg5[%swap3A_369, %swap3A_370], %exp3A_357 {strides = array<i32>} : memref<2888x16xf32, #tpu.memory_space<vmem>>, vector<16xf32>,
        %add3A_372 = arith.constant 4 : i32
        %add3A_373 = arith.addi %mul3A_292, %add3A_372 : i32
        %add3A_374 = arith.constant 1 : i32
        %add3A_375 = arith.addi %add3A_373, %add3A_374 : i32
        %swap3A_376 = arith.index_cast %add3A_375 : i32 to index
        %swap3A_377 = arith.constant 0 : index
        %swap3A_378 = tpu.vector_load %arg5[%swap3A_376, %swap3A_377] {strides = array<i32>} : memref<2888x16xf32, #tpu.memory_space<vmem>>, vector<16xf32>,
        tpu.vector_store %arg5[%swap3A_376, %swap3A_377], %exp3A_366 {strides = array<i32>} : memref<2888x16xf32, #tpu.memory_space<vmem>>, vector<16xf32>,
        %add3A_379 = arith.addf %add3A_349, %exp3A_357 : vector<16xf32>
        %add3A_380 = arith.addf %add3A_350, %exp3A_366 : vector<16xf32>
        %add3A_381 = arith.constant 6 : i32
        %add3A_382 = arith.addi %mul3A_292, %add3A_381 : i32
        %get3A_383 = arith.index_cast %add3A_382 : i32 to index
        %get3A_384 = arith.constant 0 : index
        %get3A_385 = tpu.vector_load %arg4[%get3A_383, %get3A_384] {strides = array<i32>} : memref<2888x16xf32, #tpu.memory_space<vmem>>, vector<16xf32>,
        %sub3A_386 = arith.subf %get3A_385, %max3A_158 : vector<16xf32>
        %exp3A_387 = math.exp %sub3A_386 : vector<16xf32>
        %add3A_388 = arith.constant 6 : i32
        %add3A_389 = arith.addi %mul3A_292, %add3A_388 : i32
        %add3A_390 = arith.constant 1 : i32
        %add3A_391 = arith.addi %add3A_389, %add3A_390 : i32
        %get3A_392 = arith.index_cast %add3A_391 : i32 to index
        %get3A_393 = arith.constant 0 : index
        %get3A_394 = tpu.vector_load %arg4[%get3A_392, %get3A_393] {strides = array<i32>} : memref<2888x16xf32, #tpu.memory_space<vmem>>, vector<16xf32>,
        %sub3A_395 = arith.subf %get3A_394, %max3A_158 : vector<16xf32>
        %exp3A_396 = math.exp %sub3A_395 : vector<16xf32>
        %add3A_397 = arith.constant 6 : i32
        %add3A_398 = arith.addi %mul3A_292, %add3A_397 : i32
        %swap3A_399 = arith.index_cast %add3A_398 : i32 to index
        %swap3A_400 = arith.constant 0 : index
        %swap3A_401 = tpu.vector_load %arg5[%swap3A_399, %swap3A_400] {strides = array<i32>} : memref<2888x16xf32, #tpu.memory_space<vmem>>, vector<16xf32>,
        tpu.vector_store %arg5[%swap3A_399, %swap3A_400], %exp3A_387 {strides = array<i32>} : memref<2888x16xf32, #tpu.memory_space<vmem>>, vector<16xf32>,
        %add3A_402 = arith.constant 6 : i32
        %add3A_403 = arith.addi %mul3A_292, %add3A_402 : i32
        %add3A_404 = arith.constant 1 : i32
        %add3A_405 = arith.addi %add3A_403, %add3A_404 : i32
        %swap3A_406 = arith.index_cast %add3A_405 : i32 to index
        %swap3A_407 = arith.constant 0 : index
        %swap3A_408 = tpu.vector_load %arg5[%swap3A_406, %swap3A_407] {strides = array<i32>} : memref<2888x16xf32, #tpu.memory_space<vmem>>, vector<16xf32>,
        tpu.vector_store %arg5[%swap3A_406, %swap3A_407], %exp3A_396 {strides = array<i32>} : memref<2888x16xf32, #tpu.memory_space<vmem>>, vector<16xf32>,
        %add3A_409 = arith.addf %add3A_379, %exp3A_387 : vector<16xf32>
        %add3A_410 = arith.addf %add3A_380, %exp3A_396 : vector<16xf32>
        scf.yield %add3A_409, %add3A_410 : vector<16xf32>, vector<16xf32>
      }
      %scan3A_166 = arith.constant 361 : i32
      %add3A_167 = arith.addf %scan3A_165#0, %scan3A_165#1 : vector<16xf32>
      %mul3A_168 = arith.constant 8.500000e-01 : f32
      %mul3A_169 = vector.broadcast %mul3A_168 : f32 to vector<16xf32>
      %mul3A_170 = arith.mulf %mul3A_169, %add3A_167 : vector<16xf32>
      %bitcast3A = vector.bitcast %add3A_167 : vector<16xf32> to vector<16xi32>
      %shift_right_logical3A = arith.constant 23 : i32
      %shift_right_logical3A_171 = vector.broadcast %shift_right_logical3A : i32 to vector<16xi32>
      %shift_right_logical3A_172 = arith.shrui %bitcast3A, %shift_right_logical3A_171 : vector<16xi32>
      %sub3A_173 = arith.constant 127 : i32
      %sub3A_174 = vector.broadcast %sub3A_173 : i32 to vector<16xi32>
      %sub3A_175 = arith.subi %shift_right_logical3A_172, %sub3A_174 : vector<16xi32>
      %convert_element_type3A_176 = arith.sitofp %sub3A_175 : vector<16xi32> to vector<16xf32>
      %mul3A_177 = arith.constant 0.693147182 : f32
      %mul3A_178 = vector.broadcast %mul3A_177 : f32 to vector<16xf32>
      %mul3A_179 = arith.mulf %convert_element_type3A_176, %mul3A_178 : vector<16xf32>
      %sub3A_180 = arith.constant 1.000000e+00 : f32
      %sub3A_181 = vector.broadcast %sub3A_180 : f32 to vector<16xf32>
      %sub3A_182 = arith.subf %mul3A_179, %sub3A_181 : vector<16xf32>
      %neg3A = arith.constant 0.000000e+00 : f32
      %neg3A_183 = vector.broadcast %neg3A : f32 to vector<16xf32>
      %neg3A_184 = arith.subf %neg3A_183, %mul3A_179 : vector<16xf32>
      %exp3A = math.exp %neg3A_184 : vector<16xf32>
      %mul3A_185 = arith.mulf %add3A_167, %exp3A : vector<16xf32>
      %add3A_186 = arith.addf %sub3A_182, %mul3A_185 : vector<16xf32>
      %sub3A_187 = arith.constant 1.000000e+00 : f32
      %sub3A_188 = vector.broadcast %sub3A_187 : f32 to vector<16xf32>
      %sub3A_189 = arith.subf %add3A_186, %sub3A_188 : vector<16xf32>
      %neg3A_190 = arith.constant 0.000000e+00 : f32
      %neg3A_191 = vector.broadcast %neg3A_190 : f32 to vector<16xf32>
      %neg3A_192 = arith.subf %neg3A_191, %add3A_186 : vector<16xf32>
      %exp3A_193 = math.exp %neg3A_192 : vector<16xf32>
      %mul3A_194 = arith.mulf %add3A_167, %exp3A_193 : vector<16xf32>
      %add3A_195 = arith.addf %sub3A_189, %mul3A_194 : vector<16xf32>
      %sub3A_196 = arith.constant 1.000000e+00 : f32
      %sub3A_197 = vector.broadcast %sub3A_196 : f32 to vector<16xf32>
      %sub3A_198 = arith.subf %add3A_195, %sub3A_197 : vector<16xf32>
      %neg3A_199 = arith.constant 0.000000e+00 : f32
      %neg3A_200 = vector.broadcast %neg3A_199 : f32 to vector<16xf32>
      %neg3A_201 = arith.subf %neg3A_200, %add3A_195 : vector<16xf32>
      %exp3A_202 = math.exp %neg3A_201 : vector<16xf32>
      %mul3A_203 = arith.mulf %add3A_167, %exp3A_202 : vector<16xf32>
      %add3A_204 = arith.addf %sub3A_198, %mul3A_203 : vector<16xf32>
      %sub3A_205 = arith.constant 1.000000e+00 : f32
      %sub3A_206 = vector.broadcast %sub3A_205 : f32 to vector<16xf32>
      %sub3A_207 = arith.subf %add3A_204, %sub3A_206 : vector<16xf32>
      %neg3A_208 = arith.constant 0.000000e+00 : f32
      %neg3A_209 = vector.broadcast %neg3A_208 : f32 to vector<16xf32>
      %neg3A_210 = arith.subf %neg3A_209, %add3A_204 : vector<16xf32>
      %exp3A_211 = math.exp %neg3A_210 : vector<16xf32>
      %mul3A_212 = arith.mulf %add3A_167, %exp3A_211 : vector<16xf32>
      %add3A_213 = arith.addf %sub3A_207, %mul3A_212 : vector<16xf32>
      %add3A_214 = arith.constant -9.86543941 : f32
      %add3A_215 = vector.broadcast %add3A_214 : f32 to vector<16xf32>
      %add3A_216 = arith.addf %add3A_213, %add3A_215 : vector<16xf32>
      %scan3A_217 = arith.constant 0 : i32
      %scan3A_218 = arith.constant 16 : i32
      %scan3A_219 = arith.addi %scan3A_217, %scan3A_218 : i32
      %scan3A_220 = arith.constant 1 : i32
      %scan3A_221:2 = scf.for %scan3A_288 = %scan3A_217 to %scan3A_219 step %scan3A_220 iter_args(%scan3A_289 = %add3A_216, %scan3A_290 = %broadcast_in_dim3A_148) -> (vector<16xf32>, vector<16xf32>)  : i32 {
        %add3A_291 = arith.addf %scan3A_289, %scan3A_290 : vector<16xf32>
        %mul3A_292 = arith.constant 5.000000e-01 : f32
        %mul3A_293 = vector.broadcast %mul3A_292 : f32 to vector<16xf32>
        %mul3A_294 = arith.mulf %mul3A_293, %add3A_291 : vector<16xf32>
        %exp3A_295 = math.exp %mul3A_294 : vector<16xf32>
        %scan3A_296 = arith.constant 0 : i32
        %scan3A_297 = arith.constant 361 : i32
        %scan3A_298 = arith.addi %scan3A_296, %scan3A_297 : i32
        %scan3A_299 = arith.constant 1 : i32
        %scan3A_300:4 = scf.for %scan3A_307 = %scan3A_296 to %scan3A_298 step %scan3A_299 iter_args(%scan3A_308 = %broadcast_in_dim3A_148, %scan3A_309 = %broadcast_in_dim3A_148, %scan3A_310 = %broadcast_in_dim3A_148, %scan3A_311 = %broadcast_in_dim3A_148) -> (vector<16xf32>, vector<16xf32>, vector<16xf32>, vector<16xf32>)  : i32 {
          %mul3A_312 = arith.constant 8 : i32
          %mul3A_313 = arith.muli %scan3A_307, %mul3A_312 : i32
          %add3A_314 = arith.constant 0 : i32
          %add3A_315 = arith.addi %mul3A_313, %add3A_314 : i32
          %get3A = arith.index_cast %add3A_315 : i32 to index
          %get3A_316 = arith.constant 0 : index
          %get3A_317 = tpu.vector_load %arg5[%get3A, %get3A_316] {strides = array<i32>} : memref<2888x16xf32, #tpu.memory_space<vmem>>, vector<16xf32>,
          %add3A_318 = arith.constant 0 : i32
          %add3A_319 = arith.addi %mul3A_313, %add3A_318 : i32
          %add3A_320 = arith.constant 1 : i32
          %add3A_321 = arith.addi %add3A_319, %add3A_320 : i32
          %get3A_322 = arith.index_cast %add3A_321 : i32 to index
          %get3A_323 = arith.constant 0 : index
          %get3A_324 = tpu.vector_load %arg5[%get3A_322, %get3A_323] {strides = array<i32>} : memref<2888x16xf32, #tpu.memory_space<vmem>>, vector<16xf32>,
          %add3A_325 = arith.constant 0 : i32
          %add3A_326 = arith.addi %mul3A_313, %add3A_325 : i32
          %add3A_327 = arith.constant 2 : i32
          %add3A_328 = arith.addi %add3A_326, %add3A_327 : i32
          %get3A_329 = arith.index_cast %add3A_328 : i32 to index
          %get3A_330 = arith.constant 0 : index
          %get3A_331 = tpu.vector_load %arg5[%get3A_329, %get3A_330] {strides = array<i32>} : memref<2888x16xf32, #tpu.memory_space<vmem>>, vector<16xf32>,
          %add3A_332 = arith.constant 0 : i32
          %add3A_333 = arith.addi %mul3A_313, %add3A_332 : i32
          %add3A_334 = arith.constant 3 : i32
          %add3A_335 = arith.addi %add3A_333, %add3A_334 : i32
          %get3A_336 = arith.index_cast %add3A_335 : i32 to index
          %get3A_337 = arith.constant 0 : index
          %get3A_338 = tpu.vector_load %arg5[%get3A_336, %get3A_337] {strides = array<i32>} : memref<2888x16xf32, #tpu.memory_space<vmem>>, vector<16xf32>,
          %gt3A_339 = arith.cmpf ogt, %get3A_317, %exp3A_295 : vector<16xf32>
          %jit3A_340 = arith.constant 0.000000e+00 : f32
          %broadcast_in_dim3A_341 = vector.broadcast %jit3A_340 : f32 to vector<16xf32>
          %select_n3A_342 = arith.select %gt3A_339, %get3A_317, %broadcast_in_dim3A_341 : vector<16xi1>, vector<16xf32>
          %add3A_343 = arith.addf %scan3A_308, %select_n3A_342 : vector<16xf32>
          %gt3A_344 = arith.cmpf ogt, %get3A_324, %exp3A_295 : vector<16xf32>
          %jit3A_345 = arith.constant 0.000000e+00 : f32
          %broadcast_in_dim3A_346 = vector.broadcast %jit3A_345 : f32 to vector<16xf32>
          %select_n3A_347 = arith.select %gt3A_344, %get3A_324, %broadcast_in_dim3A_346 : vector<16xi1>, vector<16xf32>
          %add3A_348 = arith.addf %scan3A_309, %select_n3A_347 : vector<16xf32>
          %gt3A_349 = arith.cmpf ogt, %get3A_331, %exp3A_295 : vector<16xf32>
          %jit3A_350 = arith.constant 0.000000e+00 : f32
          %broadcast_in_dim3A_351 = vector.broadcast %jit3A_350 : f32 to vector<16xf32>
          %select_n3A_352 = arith.select %gt3A_349, %get3A_331, %broadcast_in_dim3A_351 : vector<16xi1>, vector<16xf32>
          %add3A_353 = arith.addf %scan3A_310, %select_n3A_352 : vector<16xf32>
          %gt3A_354 = arith.cmpf ogt, %get3A_338, %exp3A_295 : vector<16xf32>
          %jit3A_355 = arith.constant 0.000000e+00 : f32
          %broadcast_in_dim3A_356 = vector.broadcast %jit3A_355 : f32 to vector<16xf32>
          %select_n3A_357 = arith.select %gt3A_354, %get3A_338, %broadcast_in_dim3A_356 : vector<16xi1>, vector<16xf32>
          %add3A_358 = arith.addf %scan3A_311, %select_n3A_357 : vector<16xf32>
          %add3A_359 = arith.constant 4 : i32
          %add3A_360 = arith.addi %mul3A_313, %add3A_359 : i32
          %get3A_361 = arith.index_cast %add3A_360 : i32 to index
          %get3A_362 = arith.constant 0 : index
          %get3A_363 = tpu.vector_load %arg5[%get3A_361, %get3A_362] {strides = array<i32>} : memref<2888x16xf32, #tpu.memory_space<vmem>>, vector<16xf32>,
          %add3A_364 = arith.constant 4 : i32
          %add3A_365 = arith.addi %mul3A_313, %add3A_364 : i32
          %add3A_366 = arith.constant 1 : i32
          %add3A_367 = arith.addi %add3A_365, %add3A_366 : i32
          %get3A_368 = arith.index_cast %add3A_367 : i32 to index
          %get3A_369 = arith.constant 0 : index
          %get3A_370 = tpu.vector_load %arg5[%get3A_368, %get3A_369] {strides = array<i32>} : memref<2888x16xf32, #tpu.memory_space<vmem>>, vector<16xf32>,
          %add3A_371 = arith.constant 4 : i32
          %add3A_372 = arith.addi %mul3A_313, %add3A_371 : i32
          %add3A_373 = arith.constant 2 : i32
          %add3A_374 = arith.addi %add3A_372, %add3A_373 : i32
          %get3A_375 = arith.index_cast %add3A_374 : i32 to index
          %get3A_376 = arith.constant 0 : index
          %get3A_377 = tpu.vector_load %arg5[%get3A_375, %get3A_376] {strides = array<i32>} : memref<2888x16xf32, #tpu.memory_space<vmem>>, vector<16xf32>,
          %add3A_378 = arith.constant 4 : i32
          %add3A_379 = arith.addi %mul3A_313, %add3A_378 : i32
          %add3A_380 = arith.constant 3 : i32
          %add3A_381 = arith.addi %add3A_379, %add3A_380 : i32
          %get3A_382 = arith.index_cast %add3A_381 : i32 to index
          %get3A_383 = arith.constant 0 : index
          %get3A_384 = tpu.vector_load %arg5[%get3A_382, %get3A_383] {strides = array<i32>} : memref<2888x16xf32, #tpu.memory_space<vmem>>, vector<16xf32>,
          %gt3A_385 = arith.cmpf ogt, %get3A_363, %exp3A_295 : vector<16xf32>
          %jit3A_386 = arith.constant 0.000000e+00 : f32
          %broadcast_in_dim3A_387 = vector.broadcast %jit3A_386 : f32 to vector<16xf32>
          %select_n3A_388 = arith.select %gt3A_385, %get3A_363, %broadcast_in_dim3A_387 : vector<16xi1>, vector<16xf32>
          %add3A_389 = arith.addf %add3A_343, %select_n3A_388 : vector<16xf32>
          %gt3A_390 = arith.cmpf ogt, %get3A_370, %exp3A_295 : vector<16xf32>
          %jit3A_391 = arith.constant 0.000000e+00 : f32
          %broadcast_in_dim3A_392 = vector.broadcast %jit3A_391 : f32 to vector<16xf32>
          %select_n3A_393 = arith.select %gt3A_390, %get3A_370, %broadcast_in_dim3A_392 : vector<16xi1>, vector<16xf32>
          %add3A_394 = arith.addf %add3A_348, %select_n3A_393 : vector<16xf32>
          %gt3A_395 = arith.cmpf ogt, %get3A_377, %exp3A_295 : vector<16xf32>
          %jit3A_396 = arith.constant 0.000000e+00 : f32
          %broadcast_in_dim3A_397 = vector.broadcast %jit3A_396 : f32 to vector<16xf32>
          %select_n3A_398 = arith.select %gt3A_395, %get3A_377, %broadcast_in_dim3A_397 : vector<16xi1>, vector<16xf32>
          %add3A_399 = arith.addf %add3A_353, %select_n3A_398 : vector<16xf32>
          %gt3A_400 = arith.cmpf ogt, %get3A_384, %exp3A_295 : vector<16xf32>
          %jit3A_401 = arith.constant 0.000000e+00 : f32
          %broadcast_in_dim3A_402 = vector.broadcast %jit3A_401 : f32 to vector<16xf32>
          %select_n3A_403 = arith.select %gt3A_400, %get3A_384, %broadcast_in_dim3A_402 : vector<16xi1>, vector<16xf32>
          %add3A_404 = arith.addf %add3A_358, %select_n3A_403 : vector<16xf32>
          scf.yield %add3A_389, %add3A_394, %add3A_399, %add3A_404 : vector<16xf32>, vector<16xf32>, vector<16xf32>, vector<16xf32>
        }
        %scan3A_301 = arith.constant 361 : i32
        %add3A_302 = arith.addf %scan3A_300#0, %scan3A_300#1 : vector<16xf32>
        %add3A_303 = arith.addf %scan3A_300#2, %scan3A_300#3 : vector<16xf32>
        %add3A_304 = arith.addf %add3A_302, %add3A_303 : vector<16xf32>
        %ge3A = arith.cmpf oge, %add3A_304, %mul3A_170 : vector<16xf32>
        %select_n3A_305 = arith.select %ge3A, %mul3A_294, %scan3A_289 : vector<16xi1>, vector<16xf32>
        %select_n3A_306 = arith.select %ge3A, %scan3A_290, %mul3A_294 : vector<16xi1>, vector<16xf32>
        scf.yield %select_n3A_305, %select_n3A_306 : vector<16xf32>, vector<16xf32>
      }
      %scan3A_222 = arith.constant 16 : i32
      %exp3A_223 = math.exp %scan3A_221#0 : vector<16xf32>
      %add3A_224 = arith.addf %max3A_158, %add3A_213 : vector<16xf32>
      %scan3A_225 = arith.constant 0 : i32
      %scan3A_226 = arith.constant 0 : i32
      %scan3A_227 = arith.constant 361 : i32
      %scan3A_228 = arith.addi %scan3A_226, %scan3A_227 : i32
      %scan3A_229 = arith.constant 1 : i32
      %scan3A_230 = scf.for %scan3A_288 = %scan3A_226 to %scan3A_228 step %scan3A_229 iter_args(%scan3A_289 = %scan3A_225) -> (i32)  : i32 {
        %mul3A_290 = arith.constant 8 : i32
        %mul3A_291 = arith.muli %scan3A_288, %mul3A_290 : i32
        %add3A_292 = arith.constant 0 : i32
        %add3A_293 = arith.addi %mul3A_291, %add3A_292 : i32
        %get3A = arith.index_cast %add3A_293 : i32 to index
        %get3A_294 = arith.constant 0 : index
        %get3A_295 = tpu.vector_load %arg4[%get3A, %get3A_294] {strides = array<i32>} : memref<2888x16xf32, #tpu.memory_space<vmem>>, vector<16xf32>,
        %add3A_296 = arith.constant 0 : i32
        %add3A_297 = arith.addi %mul3A_291, %add3A_296 : i32
        %get3A_298 = arith.index_cast %add3A_297 : i32 to index
        %get3A_299 = arith.constant 0 : index
        %get3A_300 = tpu.vector_load %arg5[%get3A_298, %get3A_299] {strides = array<i32>} : memref<2888x16xf32, #tpu.memory_space<vmem>>, vector<16xf32>,
        %sub3A_301 = arith.subf %get3A_295, %add3A_224 : vector<16xf32>
        %max3A_302 = arith.constant -7.000000e+01 : f32
        %max3A_303 = vector.broadcast %max3A_302 : f32 to vector<16xf32>
        %max3A_304 = arith.maximumf %sub3A_301, %max3A_303 : vector<16xf32>
        %min3A = arith.constant 0.000000e+00 : f32
        %min3A_305 = vector.broadcast %min3A : f32 to vector<16xf32>
        %min3A_306 = arith.minimumf %max3A_304, %min3A_305 : vector<16xf32>
        %gt3A_307 = arith.cmpf ogt, %get3A_300, %exp3A_223 : vector<16xf32>
        %jit3A_308 = arith.constant -7.000000e+01 : f32
        %broadcast_in_dim3A_309 = vector.broadcast %jit3A_308 : f32 to vector<16xf32>
        %select_n3A_310 = arith.select %gt3A_307, %min3A_306, %broadcast_in_dim3A_309 : vector<16xi1>, vector<16xf32>
        %add3A_311 = arith.constant 0 : i32
        %add3A_312 = arith.addi %mul3A_291, %add3A_311 : i32
        %swap3A = arith.index_cast %add3A_312 : i32 to index
        %swap3A_313 = arith.constant 0 : index
        %swap3A_314 = tpu.vector_load %arg5[%swap3A, %swap3A_313] {strides = array<i32>} : memref<2888x16xf32, #tpu.memory_space<vmem>>, vector<16xf32>,
        tpu.vector_store %arg5[%swap3A, %swap3A_313], %select_n3A_310 {strides = array<i32>} : memref<2888x16xf32, #tpu.memory_space<vmem>>, vector<16xf32>,
        %add3A_315 = arith.constant 1 : i32
        %add3A_316 = arith.addi %mul3A_291, %add3A_315 : i32
        %get3A_317 = arith.index_cast %add3A_316 : i32 to index
        %get3A_318 = arith.constant 0 : index
        %get3A_319 = tpu.vector_load %arg4[%get3A_317, %get3A_318] {strides = array<i32>} : memref<2888x16xf32, #tpu.memory_space<vmem>>, vector<16xf32>,
        %add3A_320 = arith.constant 1 : i32
        %add3A_321 = arith.addi %mul3A_291, %add3A_320 : i32
        %get3A_322 = arith.index_cast %add3A_321 : i32 to index
        %get3A_323 = arith.constant 0 : index
        %get3A_324 = tpu.vector_load %arg5[%get3A_322, %get3A_323] {strides = array<i32>} : memref<2888x16xf32, #tpu.memory_space<vmem>>, vector<16xf32>,
        %sub3A_325 = arith.subf %get3A_319, %add3A_224 : vector<16xf32>
        %max3A_326 = arith.constant -7.000000e+01 : f32
        %max3A_327 = vector.broadcast %max3A_326 : f32 to vector<16xf32>
        %max3A_328 = arith.maximumf %sub3A_325, %max3A_327 : vector<16xf32>
        %min3A_329 = arith.constant 0.000000e+00 : f32
        %min3A_330 = vector.broadcast %min3A_329 : f32 to vector<16xf32>
        %min3A_331 = arith.minimumf %max3A_328, %min3A_330 : vector<16xf32>
        %gt3A_332 = arith.cmpf ogt, %get3A_324, %exp3A_223 : vector<16xf32>
        %jit3A_333 = arith.constant -7.000000e+01 : f32
        %broadcast_in_dim3A_334 = vector.broadcast %jit3A_333 : f32 to vector<16xf32>
        %select_n3A_335 = arith.select %gt3A_332, %min3A_331, %broadcast_in_dim3A_334 : vector<16xi1>, vector<16xf32>
        %add3A_336 = arith.constant 1 : i32
        %add3A_337 = arith.addi %mul3A_291, %add3A_336 : i32
        %swap3A_338 = arith.index_cast %add3A_337 : i32 to index
        %swap3A_339 = arith.constant 0 : index
        %swap3A_340 = tpu.vector_load %arg5[%swap3A_338, %swap3A_339] {strides = array<i32>} : memref<2888x16xf32, #tpu.memory_space<vmem>>, vector<16xf32>,
        tpu.vector_store %arg5[%swap3A_338, %swap3A_339], %select_n3A_335 {strides = array<i32>} : memref<2888x16xf32, #tpu.memory_space<vmem>>, vector<16xf32>,
        %add3A_341 = arith.constant 2 : i32
        %add3A_342 = arith.addi %mul3A_291, %add3A_341 : i32
        %get3A_343 = arith.index_cast %add3A_342 : i32 to index
        %get3A_344 = arith.constant 0 : index
        %get3A_345 = tpu.vector_load %arg4[%get3A_343, %get3A_344] {strides = array<i32>} : memref<2888x16xf32, #tpu.memory_space<vmem>>, vector<16xf32>,
        %add3A_346 = arith.constant 2 : i32
        %add3A_347 = arith.addi %mul3A_291, %add3A_346 : i32
        %get3A_348 = arith.index_cast %add3A_347 : i32 to index
        %get3A_349 = arith.constant 0 : index
        %get3A_350 = tpu.vector_load %arg5[%get3A_348, %get3A_349] {strides = array<i32>} : memref<2888x16xf32, #tpu.memory_space<vmem>>, vector<16xf32>,
        %sub3A_351 = arith.subf %get3A_345, %add3A_224 : vector<16xf32>
        %max3A_352 = arith.constant -7.000000e+01 : f32
        %max3A_353 = vector.broadcast %max3A_352 : f32 to vector<16xf32>
        %max3A_354 = arith.maximumf %sub3A_351, %max3A_353 : vector<16xf32>
        %min3A_355 = arith.constant 0.000000e+00 : f32
        %min3A_356 = vector.broadcast %min3A_355 : f32 to vector<16xf32>
        %min3A_357 = arith.minimumf %max3A_354, %min3A_356 : vector<16xf32>
        %gt3A_358 = arith.cmpf ogt, %get3A_350, %exp3A_223 : vector<16xf32>
        %jit3A_359 = arith.constant -7.000000e+01 : f32
        %broadcast_in_dim3A_360 = vector.broadcast %jit3A_359 : f32 to vector<16xf32>
        %select_n3A_361 = arith.select %gt3A_358, %min3A_357, %broadcast_in_dim3A_360 : vector<16xi1>, vector<16xf32>
        %add3A_362 = arith.constant 2 : i32
        %add3A_363 = arith.addi %mul3A_291, %add3A_362 : i32
        %swap3A_364 = arith.index_cast %add3A_363 : i32 to index
        %swap3A_365 = arith.constant 0 : index
        %swap3A_366 = tpu.vector_load %arg5[%swap3A_364, %swap3A_365] {strides = array<i32>} : memref<2888x16xf32, #tpu.memory_space<vmem>>, vector<16xf32>,
        tpu.vector_store %arg5[%swap3A_364, %swap3A_365], %select_n3A_361 {strides = array<i32>} : memref<2888x16xf32, #tpu.memory_space<vmem>>, vector<16xf32>,
        %add3A_367 = arith.constant 3 : i32
        %add3A_368 = arith.addi %mul3A_291, %add3A_367 : i32
        %get3A_369 = arith.index_cast %add3A_368 : i32 to index
        %get3A_370 = arith.constant 0 : index
        %get3A_371 = tpu.vector_load %arg4[%get3A_369, %get3A_370] {strides = array<i32>} : memref<2888x16xf32, #tpu.memory_space<vmem>>, vector<16xf32>,
        %add3A_372 = arith.constant 3 : i32
        %add3A_373 = arith.addi %mul3A_291, %add3A_372 : i32
        %get3A_374 = arith.index_cast %add3A_373 : i32 to index
        %get3A_375 = arith.constant 0 : index
        %get3A_376 = tpu.vector_load %arg5[%get3A_374, %get3A_375] {strides = array<i32>} : memref<2888x16xf32, #tpu.memory_space<vmem>>, vector<16xf32>,
        %sub3A_377 = arith.subf %get3A_371, %add3A_224 : vector<16xf32>
        %max3A_378 = arith.constant -7.000000e+01 : f32
        %max3A_379 = vector.broadcast %max3A_378 : f32 to vector<16xf32>
        %max3A_380 = arith.maximumf %sub3A_377, %max3A_379 : vector<16xf32>
        %min3A_381 = arith.constant 0.000000e+00 : f32
        %min3A_382 = vector.broadcast %min3A_381 : f32 to vector<16xf32>
        %min3A_383 = arith.minimumf %max3A_380, %min3A_382 : vector<16xf32>
        %gt3A_384 = arith.cmpf ogt, %get3A_376, %exp3A_223 : vector<16xf32>
        %jit3A_385 = arith.constant -7.000000e+01 : f32
        %broadcast_in_dim3A_386 = vector.broadcast %jit3A_385 : f32 to vector<16xf32>
        %select_n3A_387 = arith.select %gt3A_384, %min3A_383, %broadcast_in_dim3A_386 : vector<16xi1>, vector<16xf32>
        %add3A_388 = arith.constant 3 : i32
        %add3A_389 = arith.addi %mul3A_291, %add3A_388 : i32
        %swap3A_390 = arith.index_cast %add3A_389 : i32 to index
        %swap3A_391 = arith.constant 0 : index
        %swap3A_392 = tpu.vector_load %arg5[%swap3A_390, %swap3A_391] {strides = array<i32>} : memref<2888x16xf32, #tpu.memory_space<vmem>>, vector<16xf32>,
        tpu.vector_store %arg5[%swap3A_390, %swap3A_391], %select_n3A_387 {strides = array<i32>} : memref<2888x16xf32, #tpu.memory_space<vmem>>, vector<16xf32>,
        %add3A_393 = arith.constant 4 : i32
        %add3A_394 = arith.addi %mul3A_291, %add3A_393 : i32
        %get3A_395 = arith.index_cast %add3A_394 : i32 to index
        %get3A_396 = arith.constant 0 : index
        %get3A_397 = tpu.vector_load %arg4[%get3A_395, %get3A_396] {strides = array<i32>} : memref<2888x16xf32, #tpu.memory_space<vmem>>, vector<16xf32>,
        %add3A_398 = arith.constant 4 : i32
        %add3A_399 = arith.addi %mul3A_291, %add3A_398 : i32
        %get3A_400 = arith.index_cast %add3A_399 : i32 to index
        %get3A_401 = arith.constant 0 : index
        %get3A_402 = tpu.vector_load %arg5[%get3A_400, %get3A_401] {strides = array<i32>} : memref<2888x16xf32, #tpu.memory_space<vmem>>, vector<16xf32>,
        %sub3A_403 = arith.subf %get3A_397, %add3A_224 : vector<16xf32>
        %max3A_404 = arith.constant -7.000000e+01 : f32
        %max3A_405 = vector.broadcast %max3A_404 : f32 to vector<16xf32>
        %max3A_406 = arith.maximumf %sub3A_403, %max3A_405 : vector<16xf32>
        %min3A_407 = arith.constant 0.000000e+00 : f32
        %min3A_408 = vector.broadcast %min3A_407 : f32 to vector<16xf32>
        %min3A_409 = arith.minimumf %max3A_406, %min3A_408 : vector<16xf32>
        %gt3A_410 = arith.cmpf ogt, %get3A_402, %exp3A_223 : vector<16xf32>
        %jit3A_411 = arith.constant -7.000000e+01 : f32
        %broadcast_in_dim3A_412 = vector.broadcast %jit3A_411 : f32 to vector<16xf32>
        %select_n3A_413 = arith.select %gt3A_410, %min3A_409, %broadcast_in_dim3A_412 : vector<16xi1>, vector<16xf32>
        %add3A_414 = arith.constant 4 : i32
        %add3A_415 = arith.addi %mul3A_291, %add3A_414 : i32
        %swap3A_416 = arith.index_cast %add3A_415 : i32 to index
        %swap3A_417 = arith.constant 0 : index
        %swap3A_418 = tpu.vector_load %arg5[%swap3A_416, %swap3A_417] {strides = array<i32>} : memref<2888x16xf32, #tpu.memory_space<vmem>>, vector<16xf32>,
        tpu.vector_store %arg5[%swap3A_416, %swap3A_417], %select_n3A_413 {strides = array<i32>} : memref<2888x16xf32, #tpu.memory_space<vmem>>, vector<16xf32>,
        %add3A_419 = arith.constant 5 : i32
        %add3A_420 = arith.addi %mul3A_291, %add3A_419 : i32
        %get3A_421 = arith.index_cast %add3A_420 : i32 to index
        %get3A_422 = arith.constant 0 : index
        %get3A_423 = tpu.vector_load %arg4[%get3A_421, %get3A_422] {strides = array<i32>} : memref<2888x16xf32, #tpu.memory_space<vmem>>, vector<16xf32>,
        %add3A_424 = arith.constant 5 : i32
        %add3A_425 = arith.addi %mul3A_291, %add3A_424 : i32
        %get3A_426 = arith.index_cast %add3A_425 : i32 to index
        %get3A_427 = arith.constant 0 : index
        %get3A_428 = tpu.vector_load %arg5[%get3A_426, %get3A_427] {strides = array<i32>} : memref<2888x16xf32, #tpu.memory_space<vmem>>, vector<16xf32>,
        %sub3A_429 = arith.subf %get3A_423, %add3A_224 : vector<16xf32>
        %max3A_430 = arith.constant -7.000000e+01 : f32
        %max3A_431 = vector.broadcast %max3A_430 : f32 to vector<16xf32>
        %max3A_432 = arith.maximumf %sub3A_429, %max3A_431 : vector<16xf32>
        %min3A_433 = arith.constant 0.000000e+00 : f32
        %min3A_434 = vector.broadcast %min3A_433 : f32 to vector<16xf32>
        %min3A_435 = arith.minimumf %max3A_432, %min3A_434 : vector<16xf32>
        %gt3A_436 = arith.cmpf ogt, %get3A_428, %exp3A_223 : vector<16xf32>
        %jit3A_437 = arith.constant -7.000000e+01 : f32
        %broadcast_in_dim3A_438 = vector.broadcast %jit3A_437 : f32 to vector<16xf32>
        %select_n3A_439 = arith.select %gt3A_436, %min3A_435, %broadcast_in_dim3A_438 : vector<16xi1>, vector<16xf32>
        %add3A_440 = arith.constant 5 : i32
        %add3A_441 = arith.addi %mul3A_291, %add3A_440 : i32
        %swap3A_442 = arith.index_cast %add3A_441 : i32 to index
        %swap3A_443 = arith.constant 0 : index
        %swap3A_444 = tpu.vector_load %arg5[%swap3A_442, %swap3A_443] {strides = array<i32>} : memref<2888x16xf32, #tpu.memory_space<vmem>>, vector<16xf32>,
        tpu.vector_store %arg5[%swap3A_442, %swap3A_443], %select_n3A_439 {strides = array<i32>} : memref<2888x16xf32, #tpu.memory_space<vmem>>, vector<16xf32>,
        %add3A_445 = arith.constant 6 : i32
        %add3A_446 = arith.addi %mul3A_291, %add3A_445 : i32
        %get3A_447 = arith.index_cast %add3A_446 : i32 to index
        %get3A_448 = arith.constant 0 : index
        %get3A_449 = tpu.vector_load %arg4[%get3A_447, %get3A_448] {strides = array<i32>} : memref<2888x16xf32, #tpu.memory_space<vmem>>, vector<16xf32>,
        %add3A_450 = arith.constant 6 : i32
        %add3A_451 = arith.addi %mul3A_291, %add3A_450 : i32
        %get3A_452 = arith.index_cast %add3A_451 : i32 to index
        %get3A_453 = arith.constant 0 : index
        %get3A_454 = tpu.vector_load %arg5[%get3A_452, %get3A_453] {strides = array<i32>} : memref<2888x16xf32, #tpu.memory_space<vmem>>, vector<16xf32>,
        %sub3A_455 = arith.subf %get3A_449, %add3A_224 : vector<16xf32>
        %max3A_456 = arith.constant -7.000000e+01 : f32
        %max3A_457 = vector.broadcast %max3A_456 : f32 to vector<16xf32>
        %max3A_458 = arith.maximumf %sub3A_455, %max3A_457 : vector<16xf32>
        %min3A_459 = arith.constant 0.000000e+00 : f32
        %min3A_460 = vector.broadcast %min3A_459 : f32 to vector<16xf32>
        %min3A_461 = arith.minimumf %max3A_458, %min3A_460 : vector<16xf32>
        %gt3A_462 = arith.cmpf ogt, %get3A_454, %exp3A_223 : vector<16xf32>
        %jit3A_463 = arith.constant -7.000000e+01 : f32
        %broadcast_in_dim3A_464 = vector.broadcast %jit3A_463 : f32 to vector<16xf32>
        %select_n3A_465 = arith.select %gt3A_462, %min3A_461, %broadcast_in_dim3A_464 : vector<16xi1>, vector<16xf32>
        %add3A_466 = arith.constant 6 : i32
        %add3A_467 = arith.addi %mul3A_291, %add3A_466 : i32
        %swap3A_468 = arith.index_cast %add3A_467 : i32 to index
        %swap3A_469 = arith.constant 0 : index
        %swap3A_470 = tpu.vector_load %arg5[%swap3A_468, %swap3A_469] {strides = array<i32>} : memref<2888x16xf32, #tpu.memory_space<vmem>>, vector<16xf32>,
        tpu.vector_store %arg5[%swap3A_468, %swap3A_469], %select_n3A_465 {strides = array<i32>} : memref<2888x16xf32, #tpu.memory_space<vmem>>, vector<16xf32>,
        %add3A_471 = arith.constant 7 : i32
        %add3A_472 = arith.addi %mul3A_291, %add3A_471 : i32
        %get3A_473 = arith.index_cast %add3A_472 : i32 to index
        %get3A_474 = arith.constant 0 : index
        %get3A_475 = tpu.vector_load %arg4[%get3A_473, %get3A_474] {strides = array<i32>} : memref<2888x16xf32, #tpu.memory_space<vmem>>, vector<16xf32>,
        %add3A_476 = arith.constant 7 : i32
        %add3A_477 = arith.addi %mul3A_291, %add3A_476 : i32
        %get3A_478 = arith.index_cast %add3A_477 : i32 to index
        %get3A_479 = arith.constant 0 : index
        %get3A_480 = tpu.vector_load %arg5[%get3A_478, %get3A_479] {strides = array<i32>} : memref<2888x16xf32, #tpu.memory_space<vmem>>, vector<16xf32>,
        %sub3A_481 = arith.subf %get3A_475, %add3A_224 : vector<16xf32>
        %max3A_482 = arith.constant -7.000000e+01 : f32
        %max3A_483 = vector.broadcast %max3A_482 : f32 to vector<16xf32>
        %max3A_484 = arith.maximumf %sub3A_481, %max3A_483 : vector<16xf32>
        %min3A_485 = arith.constant 0.000000e+00 : f32
        %min3A_486 = vector.broadcast %min3A_485 : f32 to vector<16xf32>
        %min3A_487 = arith.minimumf %max3A_484, %min3A_486 : vector<16xf32>
        %gt3A_488 = arith.cmpf ogt, %get3A_480, %exp3A_223 : vector<16xf32>
        %jit3A_489 = arith.constant -7.000000e+01 : f32
        %broadcast_in_dim3A_490 = vector.broadcast %jit3A_489 : f32 to vector<16xf32>
        %select_n3A_491 = arith.select %gt3A_488, %min3A_487, %broadcast_in_dim3A_490 : vector<16xi1>, vector<16xf32>
        %add3A_492 = arith.constant 7 : i32
        %add3A_493 = arith.addi %mul3A_291, %add3A_492 : i32
        %swap3A_494 = arith.index_cast %add3A_493 : i32 to index
        %swap3A_495 = arith.constant 0 : index
        %swap3A_496 = tpu.vector_load %arg5[%swap3A_494, %swap3A_495] {strides = array<i32>} : memref<2888x16xf32, #tpu.memory_space<vmem>>, vector<16xf32>,
        tpu.vector_store %arg5[%swap3A_494, %swap3A_495], %select_n3A_491 {strides = array<i32>} : memref<2888x16xf32, #tpu.memory_space<vmem>>, vector<16xf32>,
        %scan3A_497 = arith.constant 0 : i32
        scf.yield %scan3A_497 : i32
      }
      %scan3A_231 = arith.constant 361 : i32
      %jit3A_232 = arith.constant 64 : i32
      %div3A_233 = arith.divsi %add3A_97, %jit3A_232 : i32
      %sign3A_234 = arith.constant 0 : i32
      %sign3A_235 = arith.cmpi sgt, %add3A_97, %sign3A_234 : i32
      %sign3A_236 = arith.extui %sign3A_235 : i1 to i32
      %sign3A_237 = arith.constant 0 : i32
      %sign3A_238 = arith.cmpi slt, %add3A_97, %sign3A_237 : i32
      %sign3A_239 = arith.extui %sign3A_238 : i1 to i32
      %sign3A_240 = arith.subi %sign3A_236, %sign3A_239 : i32
      %sign3A_241 = arith.constant 0 : i32
      %sign3A_242 = arith.cmpi sgt, %jit3A_232, %sign3A_241 : i32
      %sign3A_243 = arith.extui %sign3A_242 : i1 to i32
      %sign3A_244 = arith.constant 0 : i32
      %sign3A_245 = arith.cmpi slt, %jit3A_232, %sign3A_244 : i32
      %sign3A_246 = arith.extui %sign3A_245 : i1 to i32
      %sign3A_247 = arith.subi %sign3A_243, %sign3A_246 : i32
      %ne3A_248 = arith.cmpi ne, %sign3A_240, %sign3A_247 : i32
      %rem3A_249 = arith.remsi %add3A_97, %jit3A_232 : i32
      %ne3A_250 = arith.constant 0 : i32
      %ne3A_251 = arith.cmpi ne, %rem3A_249, %ne3A_250 : i32
      %and3A_252 = arith.andi %ne3A_248, %ne3A_251 : i1
      %sub3A_253 = arith.constant 1 : i32
      %sub3A_254 = arith.subi %div3A_233, %sub3A_253 : i32
      %select_n3A_255 = arith.select %and3A_252, %sub3A_254, %div3A_233 : i32
      %jit3A_256 = arith.constant 64 : i32
      %eq3A_257 = arith.constant 0 : i32
      %eq3A_258 = arith.cmpi eq, %jit3A_256, %eq3A_257 : i32
      %jit3A_259 = arith.constant 1 : i32
      %select_n3A_260 = arith.select %eq3A_258, %jit3A_259, %jit3A_256 : i32
      %rem3A_261 = arith.remsi %add3A_97, %select_n3A_260 : i32
      %ne3A_262 = arith.constant 0 : i32
      %ne3A_263 = arith.cmpi ne, %rem3A_261, %ne3A_262 : i32
      %lt3A_264 = arith.constant 0 : i32
      %lt3A_265 = arith.cmpi slt, %rem3A_261, %lt3A_264 : i32
      %lt3A_266 = arith.constant 0 : i32
      %lt3A_267 = arith.cmpi slt, %select_n3A_260, %lt3A_266 : i32
      %ne3A_268 = arith.xori %lt3A_265, %lt3A_267 : i1
      %and3A_269 = arith.andi %ne3A_268, %ne3A_263 : i1
      %add3A_270 = arith.addi %rem3A_261, %select_n3A_260 : i32
      %select_n3A_271 = arith.select %and3A_269, %add3A_270, %rem3A_261 : i32
      %mul3A_272 = arith.constant 16 : i32
      %mul3A_273 = arith.muli %select_n3A_271, %mul3A_272 : i32
      %dma_start3A_274 = arith.constant 0 : i32
      %dma_start3A_275 = tpu.memref_slice %arg3[%select_n3A_255, %dma_start3A_274, %mul3A_273] : memref<4x2888x1024xf32, #tpu.memory_space<hbm>> -> memref<1x2888x16xf32, #tpu.memory_space<hbm>>
      %dma_start3A_276 = tpu.memref_squeeze %dma_start3A_275 : memref<1x2888x16xf32, #tpu.memory_space<hbm>> -> memref<2888x16xf32, #tpu.memory_space<hbm>>
      %dma_start3A_277 = arith.constant 0 : i32
      %dma_start3A_278 = tpu.memref_slice %arg3[%select_n3A_255, %dma_start3A_277, %mul3A_273] : memref<4x2888x1024xf32, #tpu.memory_space<hbm>> -> memref<1x2888x16xf32, #tpu.memory_space<hbm>>
      %dma_start3A_279 = tpu.memref_squeeze %dma_start3A_278 : memref<1x2888x16xf32, #tpu.memory_space<hbm>> -> memref<2888x16xf32, #tpu.memory_space<hbm>>
      tpu.enqueue_dma source(%arg5 : memref<2888x16xf32, #tpu.memory_space<vmem>>) target(%dma_start3A_279 : memref<2888x16xf32, #tpu.memory_space<hbm>>) target_semaphore(%arg7 : memref<!tpu.dma_semaphore, #tpu.memory_space<semaphore_mem>>)
      %add3A_280 = arith.constant 1 : i32
      %add3A_281 = arith.addi %scan3A_95, %add3A_280 : i32
      %lt3A_282 = arith.constant 8 : i32
      %lt3A_283 = arith.cmpi slt, %add3A_281, %lt3A_282 : i32
      %convert_element_type3A_284 = arith.extui %lt3A_283 : i1 to i32
      %cond3A_285 = arith.constant 0 : i32
      %cond3A_286 = arith.cmpi ne, %convert_element_type3A_284, %cond3A_285 : i32
      scf.if %cond3A_286 {
        %add3A_288 = arith.constant 1 : i32
        %add3A_289 = arith.addi %add3A_97, %add3A_288 : i32
        %jit3A_290 = arith.constant 64 : i32
        %div3A_291 = arith.divsi %add3A_289, %jit3A_290 : i32
        %sign3A_292 = arith.constant 0 : i32
        %sign3A_293 = arith.cmpi sgt, %add3A_289, %sign3A_292 : i32
        %sign3A_294 = arith.extui %sign3A_293 : i1 to i32
        %sign3A_295 = arith.constant 0 : i32
        %sign3A_296 = arith.cmpi slt, %add3A_289, %sign3A_295 : i32
        %sign3A_297 = arith.extui %sign3A_296 : i1 to i32
        %sign3A_298 = arith.subi %sign3A_294, %sign3A_297 : i32
        %sign3A_299 = arith.constant 0 : i32
        %sign3A_300 = arith.cmpi sgt, %jit3A_290, %sign3A_299 : i32
        %sign3A_301 = arith.extui %sign3A_300 : i1 to i32
        %sign3A_302 = arith.constant 0 : i32
        %sign3A_303 = arith.cmpi slt, %jit3A_290, %sign3A_302 : i32
        %sign3A_304 = arith.extui %sign3A_303 : i1 to i32
        %sign3A_305 = arith.subi %sign3A_301, %sign3A_304 : i32
        %ne3A_306 = arith.cmpi ne, %sign3A_298, %sign3A_305 : i32
        %rem3A_307 = arith.remsi %add3A_289, %jit3A_290 : i32
        %ne3A_308 = arith.constant 0 : i32
        %ne3A_309 = arith.cmpi ne, %rem3A_307, %ne3A_308 : i32
        %and3A_310 = arith.andi %ne3A_306, %ne3A_309 : i1
        %sub3A_311 = arith.constant 1 : i32
        %sub3A_312 = arith.subi %div3A_291, %sub3A_311 : i32
        %select_n3A_313 = arith.select %and3A_310, %sub3A_312, %div3A_291 : i32
        %jit3A_314 = arith.constant 64 : i32
        %eq3A_315 = arith.constant 0 : i32
        %eq3A_316 = arith.cmpi eq, %jit3A_314, %eq3A_315 : i32
        %jit3A_317 = arith.constant 1 : i32
        %select_n3A_318 = arith.select %eq3A_316, %jit3A_317, %jit3A_314 : i32
        %rem3A_319 = arith.remsi %add3A_289, %select_n3A_318 : i32
        %ne3A_320 = arith.constant 0 : i32
        %ne3A_321 = arith.cmpi ne, %rem3A_319, %ne3A_320 : i32
        %lt3A_322 = arith.constant 0 : i32
        %lt3A_323 = arith.cmpi slt, %rem3A_319, %lt3A_322 : i32
        %lt3A_324 = arith.constant 0 : i32
        %lt3A_325 = arith.cmpi slt, %select_n3A_318, %lt3A_324 : i32
        %ne3A_326 = arith.xori %lt3A_323, %lt3A_325 : i1
        %and3A_327 = arith.andi %ne3A_326, %ne3A_321 : i1
        %add3A_328 = arith.addi %rem3A_319, %select_n3A_318 : i32
        %select_n3A_329 = arith.select %and3A_327, %add3A_328, %rem3A_319 : i32
        %mul3A_330 = arith.constant 16 : i32
        %mul3A_331 = arith.muli %select_n3A_329, %mul3A_330 : i32
        %add3A_332 = arith.constant 12 : i32
        %add3A_333 = arith.addi %select_n3A_313, %add3A_332 : i32
        %dma_start3A_334 = arith.constant 0 : i32
        %dma_start3A_335 = tpu.memref_slice %arg2[%add3A_333, %dma_start3A_334, %mul3A_331] : memref<16x2888x1024xf32, #tpu.memory_space<hbm>> -> memref<1x2888x16xf32, #tpu.memory_space<hbm>>
        %dma_start3A_336 = tpu.memref_squeeze %dma_start3A_335 : memref<1x2888x16xf32, #tpu.memory_space<hbm>> -> memref<2888x16xf32, #tpu.memory_space<hbm>>
        %dma_start3A_337 = arith.constant 0 : i32
        %dma_start3A_338 = tpu.memref_slice %arg2[%add3A_333, %dma_start3A_337, %mul3A_331] : memref<16x2888x1024xf32, #tpu.memory_space<hbm>> -> memref<1x2888x16xf32, #tpu.memory_space<hbm>>
        %dma_start3A_339 = tpu.memref_squeeze %dma_start3A_338 : memref<1x2888x16xf32, #tpu.memory_space<hbm>> -> memref<2888x16xf32, #tpu.memory_space<hbm>>
        tpu.enqueue_dma source(%dma_start3A_339 : memref<2888x16xf32, #tpu.memory_space<hbm>>) target(%arg4 : memref<2888x16xf32, #tpu.memory_space<vmem>>) target_semaphore(%arg6 : memref<!tpu.dma_semaphore, #tpu.memory_space<semaphore_mem>>)
      } else {
      }
      %scan3A_287 = arith.constant 0 : i32
      scf.yield %scan3A_287 : i32
    }
    %scan3A_47 = arith.constant 8 : i32
    %jit3A_48 = arith.constant 64 : i32
    %div3A_49 = arith.divsi %mul3A_2, %jit3A_48 : i32
    %sign3A_50 = arith.constant 0 : i32
    %sign3A_51 = arith.cmpi sgt, %mul3A_2, %sign3A_50 : i32
    %sign3A_52 = arith.extui %sign3A_51 : i1 to i32
    %sign3A_53 = arith.constant 0 : i32
    %sign3A_54 = arith.cmpi slt, %mul3A_2, %sign3A_53 : i32
    %sign3A_55 = arith.extui %sign3A_54 : i1 to i32
    %sign3A_56 = arith.subi %sign3A_52, %sign3A_55 : i32
    %sign3A_57 = arith.constant 0 : i32
    %sign3A_58 = arith.cmpi sgt, %jit3A_48, %sign3A_57 : i32
    %sign3A_59 = arith.extui %sign3A_58 : i1 to i32
    %sign3A_60 = arith.constant 0 : i32
    %sign3A_61 = arith.cmpi slt, %jit3A_48, %sign3A_60 : i32
    %sign3A_62 = arith.extui %sign3A_61 : i1 to i32
    %sign3A_63 = arith.subi %sign3A_59, %sign3A_62 : i32
    %ne3A_64 = arith.cmpi ne, %sign3A_56, %sign3A_63 : i32
    %rem3A_65 = arith.remsi %mul3A_2, %jit3A_48 : i32
    %ne3A_66 = arith.constant 0 : i32
    %ne3A_67 = arith.cmpi ne, %rem3A_65, %ne3A_66 : i32
    %and3A_68 = arith.andi %ne3A_64, %ne3A_67 : i1
    %sub3A_69 = arith.constant 1 : i32
    %sub3A_70 = arith.subi %div3A_49, %sub3A_69 : i32
    %select_n3A_71 = arith.select %and3A_68, %sub3A_70, %div3A_49 : i32
    %jit3A_72 = arith.constant 64 : i32
    %eq3A_73 = arith.constant 0 : i32
    %eq3A_74 = arith.cmpi eq, %jit3A_72, %eq3A_73 : i32
    %jit3A_75 = arith.constant 1 : i32
    %select_n3A_76 = arith.select %eq3A_74, %jit3A_75, %jit3A_72 : i32
    %rem3A_77 = arith.remsi %mul3A_2, %select_n3A_76 : i32
    %ne3A_78 = arith.constant 0 : i32
    %ne3A_79 = arith.cmpi ne, %rem3A_77, %ne3A_78 : i32
    %lt3A_80 = arith.constant 0 : i32
    %lt3A_81 = arith.cmpi slt, %rem3A_77, %lt3A_80 : i32
    %lt3A_82 = arith.constant 0 : i32
    %lt3A_83 = arith.cmpi slt, %select_n3A_76, %lt3A_82 : i32
    %ne3A_84 = arith.xori %lt3A_81, %lt3A_83 : i1
    %and3A_85 = arith.andi %ne3A_84, %ne3A_79 : i1
    %add3A_86 = arith.addi %rem3A_77, %select_n3A_76 : i32
    %select_n3A_87 = arith.select %and3A_85, %add3A_86, %rem3A_77 : i32
    %mul3A_88 = arith.constant 16 : i32
    %mul3A_89 = arith.muli %select_n3A_87, %mul3A_88 : i32
    %dma_wait3A = arith.constant 0 : i32
    %dma_wait3A_90 = tpu.memref_slice %arg3[%select_n3A_71, %dma_wait3A, %mul3A_89] : memref<4x2888x1024xf32, #tpu.memory_space<hbm>> -> memref<1x2888x16xf32, #tpu.memory_space<hbm>>
    %dma_wait3A_91 = tpu.memref_squeeze %dma_wait3A_90 : memref<1x2888x16xf32, #tpu.memory_space<hbm>> -> memref<2888x16xf32, #tpu.memory_space<hbm>>
    %dma_wait3A_92 = arith.constant 0 : i32
    %dma_wait3A_93 = tpu.memref_slice %arg3[%select_n3A_71, %dma_wait3A_92, %mul3A_89] : memref<4x2888x1024xf32, #tpu.memory_space<hbm>> -> memref<1x2888x16xf32, #tpu.memory_space<hbm>>
    %dma_wait3A_94 = tpu.memref_squeeze %dma_wait3A_93 : memref<1x2888x16xf32, #tpu.memory_space<hbm>> -> memref<2888x16xf32, #tpu.memory_space<hbm>>
    tpu.wait_dma2 semaphore(%arg7 : memref<!tpu.dma_semaphore, #tpu.memory_space<semaphore_mem>>) src(%arg5 : memref<2888x16xf32, #tpu.memory_space<vmem>>) dst(%dma_wait3A_94 : memref<2888x16xf32, #tpu.memory_space<hbm>>)
    return
  }
}

module attributes {stable_mosaic.version = 14 : i64} {
  func.func @_tc_body(%arg0: i32, %arg1: i32, %arg2: memref<1x2888x512xf32, #tpu.memory_space<vmem>>, %arg3: memref<1x2888x512xf32, #tpu.memory_space<vmem>>) attributes {dimension_semantics = [#tpu.dimension_semantics<arbitrary>, #tpu.dimension_semantics<arbitrary>], iteration_bounds = array<i64: 12, 2>, scalar_prefetch = 0 : i64, scratch_operands = 0 : i64, tpu.core_type = #tpu.core_type<tc>, window_params = [{transform_indices = @transform_0, window_bounds = array<i64: 1, 2888, 512>}, {transform_indices = @transform_1, window_bounds = array<i64: 1, 2888, 512>}]} {
    %get3A = arith.constant 0 : index
    %get3A_0 = arith.constant 0 : index
    %get3A_1 = arith.constant 0 : index
    %get3A_2 = vector.load %arg2[%get3A, %get3A_0, %get3A_1] : memref<1x2888x512xf32, #tpu.memory_space<vmem>>, vector<1x2888x512xf32>
    %get3A_3 = vector.shape_cast %get3A_2 : vector<1x2888x512xf32> to vector<2888x512xf32>
    %reduce_max3A = arith.constant dense<0xFF800000> : vector<512xf32>
    %reduce_max3A_4 = vector.multi_reduction <maximumf>, %get3A_3, %reduce_max3A [0] : vector<2888x512xf32> to vector<512xf32>
    %broadcast_in_dim3A = vector.shape_cast %reduce_max3A_4 : vector<512xf32> to vector<1x512xf32>
    %sub3A = vector.broadcast %broadcast_in_dim3A : vector<1x512xf32> to vector<2888x512xf32>
    %sub3A_5 = arith.subf %get3A_3, %sub3A : vector<2888x512xf32>
    %exp3A = math.exp %sub3A_5 : vector<2888x512xf32>
    %reduce_sum3A = arith.constant dense<0.000000e+00> : vector<512xf32>
    %reduce_sum3A_6 = vector.multi_reduction <add>, %exp3A, %reduce_sum3A [0] : vector<2888x512xf32> to vector<512xf32>
    %broadcast_in_dim3A_7 = vector.shape_cast %reduce_sum3A_6 : vector<512xf32> to vector<1x512xf32>
    %mul3A = arith.constant 8.500000e-01 : f32
    %mul3A_8 = vector.broadcast %mul3A : f32 to vector<1x512xf32>
    %mul3A_9 = arith.mulf %mul3A_8, %broadcast_in_dim3A_7 : vector<1x512xf32>
    %mul3A_10 = arith.constant 5.19390596E-5 : f32
    %mul3A_11 = vector.broadcast %mul3A_10 : f32 to vector<1x512xf32>
    %mul3A_12 = arith.mulf %mul3A_11, %broadcast_in_dim3A_7 : vector<1x512xf32>
    %broadcast_in_dim3A_13 = arith.constant 1.000000e+00 : f32
    %broadcast_in_dim3A_14 = vector.broadcast %broadcast_in_dim3A_13 : f32 to vector<1x512xf32>
    %mul3A_15 = arith.mulf %mul3A_12, %broadcast_in_dim3A_14 : vector<1x512xf32>
    %sqrt3A = math.sqrt %mul3A_15 : vector<1x512xf32>
    %gt3A = vector.broadcast %sqrt3A : vector<1x512xf32> to vector<2888x512xf32>
    %gt3A_16 = arith.cmpf ogt, %exp3A, %gt3A : vector<2888x512xf32>
    %jit3A = arith.constant 0.000000e+00 : f32
    %broadcast_in_dim3A_17 = vector.broadcast %jit3A : f32 to vector<2888x512xf32>
    %select_n3A = arith.select %gt3A_16, %exp3A, %broadcast_in_dim3A_17 : vector<2888x512xi1>, vector<2888x512xf32>
    %reduce_sum3A_18 = arith.constant dense<0.000000e+00> : vector<512xf32>
    %reduce_sum3A_19 = vector.multi_reduction <add>, %select_n3A, %reduce_sum3A_18 [0] : vector<2888x512xf32> to vector<512xf32>
    %broadcast_in_dim3A_20 = vector.shape_cast %reduce_sum3A_19 : vector<512xf32> to vector<1x512xf32>
    %ge3A = arith.cmpf oge, %broadcast_in_dim3A_20, %mul3A_9 : vector<1x512xf32>
    %select_n3A_21 = arith.select %ge3A, %sqrt3A, %mul3A_12 : vector<1x512xi1>, vector<1x512xf32>
    %select_n3A_22 = arith.select %ge3A, %broadcast_in_dim3A_14, %sqrt3A : vector<1x512xi1>, vector<1x512xf32>
    %mul3A_23 = arith.mulf %select_n3A_21, %select_n3A_22 : vector<1x512xf32>
    %sqrt3A_24 = math.sqrt %mul3A_23 : vector<1x512xf32>
    %gt3A_25 = vector.broadcast %sqrt3A_24 : vector<1x512xf32> to vector<2888x512xf32>
    %gt3A_26 = arith.cmpf ogt, %exp3A, %gt3A_25 : vector<2888x512xf32>
    %jit3A_27 = arith.constant 0.000000e+00 : f32
    %broadcast_in_dim3A_28 = vector.broadcast %jit3A_27 : f32 to vector<2888x512xf32>
    %select_n3A_29 = arith.select %gt3A_26, %exp3A, %broadcast_in_dim3A_28 : vector<2888x512xi1>, vector<2888x512xf32>
    %reduce_sum3A_30 = arith.constant dense<0.000000e+00> : vector<512xf32>
    %reduce_sum3A_31 = vector.multi_reduction <add>, %select_n3A_29, %reduce_sum3A_30 [0] : vector<2888x512xf32> to vector<512xf32>
    %broadcast_in_dim3A_32 = vector.shape_cast %reduce_sum3A_31 : vector<512xf32> to vector<1x512xf32>
    %ge3A_33 = arith.cmpf oge, %broadcast_in_dim3A_32, %mul3A_9 : vector<1x512xf32>
    %select_n3A_34 = arith.select %ge3A_33, %sqrt3A_24, %select_n3A_21 : vector<1x512xi1>, vector<1x512xf32>
    %select_n3A_35 = arith.select %ge3A_33, %select_n3A_22, %sqrt3A_24 : vector<1x512xi1>, vector<1x512xf32>
    %mul3A_36 = arith.mulf %select_n3A_34, %select_n3A_35 : vector<1x512xf32>
    %sqrt3A_37 = math.sqrt %mul3A_36 : vector<1x512xf32>
    %gt3A_38 = vector.broadcast %sqrt3A_37 : vector<1x512xf32> to vector<2888x512xf32>
    %gt3A_39 = arith.cmpf ogt, %exp3A, %gt3A_38 : vector<2888x512xf32>
    %jit3A_40 = arith.constant 0.000000e+00 : f32
    %broadcast_in_dim3A_41 = vector.broadcast %jit3A_40 : f32 to vector<2888x512xf32>
    %select_n3A_42 = arith.select %gt3A_39, %exp3A, %broadcast_in_dim3A_41 : vector<2888x512xi1>, vector<2888x512xf32>
    %reduce_sum3A_43 = arith.constant dense<0.000000e+00> : vector<512xf32>
    %reduce_sum3A_44 = vector.multi_reduction <add>, %select_n3A_42, %reduce_sum3A_43 [0] : vector<2888x512xf32> to vector<512xf32>
    %broadcast_in_dim3A_45 = vector.shape_cast %reduce_sum3A_44 : vector<512xf32> to vector<1x512xf32>
    %ge3A_46 = arith.cmpf oge, %broadcast_in_dim3A_45, %mul3A_9 : vector<1x512xf32>
    %select_n3A_47 = arith.select %ge3A_46, %sqrt3A_37, %select_n3A_34 : vector<1x512xi1>, vector<1x512xf32>
    %select_n3A_48 = arith.select %ge3A_46, %select_n3A_35, %sqrt3A_37 : vector<1x512xi1>, vector<1x512xf32>
    %mul3A_49 = arith.mulf %select_n3A_47, %select_n3A_48 : vector<1x512xf32>
    %sqrt3A_50 = math.sqrt %mul3A_49 : vector<1x512xf32>
    %gt3A_51 = vector.broadcast %sqrt3A_50 : vector<1x512xf32> to vector<2888x512xf32>
    %gt3A_52 = arith.cmpf ogt, %exp3A, %gt3A_51 : vector<2888x512xf32>
    %jit3A_53 = arith.constant 0.000000e+00 : f32
    %broadcast_in_dim3A_54 = vector.broadcast %jit3A_53 : f32 to vector<2888x512xf32>
    %select_n3A_55 = arith.select %gt3A_52, %exp3A, %broadcast_in_dim3A_54 : vector<2888x512xi1>, vector<2888x512xf32>
    %reduce_sum3A_56 = arith.constant dense<0.000000e+00> : vector<512xf32>
    %reduce_sum3A_57 = vector.multi_reduction <add>, %select_n3A_55, %reduce_sum3A_56 [0] : vector<2888x512xf32> to vector<512xf32>
    %broadcast_in_dim3A_58 = vector.shape_cast %reduce_sum3A_57 : vector<512xf32> to vector<1x512xf32>
    %ge3A_59 = arith.cmpf oge, %broadcast_in_dim3A_58, %mul3A_9 : vector<1x512xf32>
    %select_n3A_60 = arith.select %ge3A_59, %sqrt3A_50, %select_n3A_47 : vector<1x512xi1>, vector<1x512xf32>
    %select_n3A_61 = arith.select %ge3A_59, %select_n3A_48, %sqrt3A_50 : vector<1x512xi1>, vector<1x512xf32>
    %mul3A_62 = arith.mulf %select_n3A_60, %select_n3A_61 : vector<1x512xf32>
    %sqrt3A_63 = math.sqrt %mul3A_62 : vector<1x512xf32>
    %gt3A_64 = vector.broadcast %sqrt3A_63 : vector<1x512xf32> to vector<2888x512xf32>
    %gt3A_65 = arith.cmpf ogt, %exp3A, %gt3A_64 : vector<2888x512xf32>
    %jit3A_66 = arith.constant 0.000000e+00 : f32
    %broadcast_in_dim3A_67 = vector.broadcast %jit3A_66 : f32 to vector<2888x512xf32>
    %select_n3A_68 = arith.select %gt3A_65, %exp3A, %broadcast_in_dim3A_67 : vector<2888x512xi1>, vector<2888x512xf32>
    %reduce_sum3A_69 = arith.constant dense<0.000000e+00> : vector<512xf32>
    %reduce_sum3A_70 = vector.multi_reduction <add>, %select_n3A_68, %reduce_sum3A_69 [0] : vector<2888x512xf32> to vector<512xf32>
    %broadcast_in_dim3A_71 = vector.shape_cast %reduce_sum3A_70 : vector<512xf32> to vector<1x512xf32>
    %ge3A_72 = arith.cmpf oge, %broadcast_in_dim3A_71, %mul3A_9 : vector<1x512xf32>
    %select_n3A_73 = arith.select %ge3A_72, %sqrt3A_63, %select_n3A_60 : vector<1x512xi1>, vector<1x512xf32>
    %select_n3A_74 = arith.select %ge3A_72, %select_n3A_61, %sqrt3A_63 : vector<1x512xi1>, vector<1x512xf32>
    %mul3A_75 = arith.mulf %select_n3A_73, %select_n3A_74 : vector<1x512xf32>
    %sqrt3A_76 = math.sqrt %mul3A_75 : vector<1x512xf32>
    %gt3A_77 = vector.broadcast %sqrt3A_76 : vector<1x512xf32> to vector<2888x512xf32>
    %gt3A_78 = arith.cmpf ogt, %exp3A, %gt3A_77 : vector<2888x512xf32>
    %jit3A_79 = arith.constant 0.000000e+00 : f32
    %broadcast_in_dim3A_80 = vector.broadcast %jit3A_79 : f32 to vector<2888x512xf32>
    %select_n3A_81 = arith.select %gt3A_78, %exp3A, %broadcast_in_dim3A_80 : vector<2888x512xi1>, vector<2888x512xf32>
    %reduce_sum3A_82 = arith.constant dense<0.000000e+00> : vector<512xf32>
    %reduce_sum3A_83 = vector.multi_reduction <add>, %select_n3A_81, %reduce_sum3A_82 [0] : vector<2888x512xf32> to vector<512xf32>
    %broadcast_in_dim3A_84 = vector.shape_cast %reduce_sum3A_83 : vector<512xf32> to vector<1x512xf32>
    %ge3A_85 = arith.cmpf oge, %broadcast_in_dim3A_84, %mul3A_9 : vector<1x512xf32>
    %select_n3A_86 = arith.select %ge3A_85, %sqrt3A_76, %select_n3A_73 : vector<1x512xi1>, vector<1x512xf32>
    %select_n3A_87 = arith.select %ge3A_85, %select_n3A_74, %sqrt3A_76 : vector<1x512xi1>, vector<1x512xf32>
    %mul3A_88 = arith.mulf %select_n3A_86, %select_n3A_87 : vector<1x512xf32>
    %sqrt3A_89 = math.sqrt %mul3A_88 : vector<1x512xf32>
    %gt3A_90 = vector.broadcast %sqrt3A_89 : vector<1x512xf32> to vector<2888x512xf32>
    %gt3A_91 = arith.cmpf ogt, %exp3A, %gt3A_90 : vector<2888x512xf32>
    %jit3A_92 = arith.constant 0.000000e+00 : f32
    %broadcast_in_dim3A_93 = vector.broadcast %jit3A_92 : f32 to vector<2888x512xf32>
    %select_n3A_94 = arith.select %gt3A_91, %exp3A, %broadcast_in_dim3A_93 : vector<2888x512xi1>, vector<2888x512xf32>
    %reduce_sum3A_95 = arith.constant dense<0.000000e+00> : vector<512xf32>
    %reduce_sum3A_96 = vector.multi_reduction <add>, %select_n3A_94, %reduce_sum3A_95 [0] : vector<2888x512xf32> to vector<512xf32>
    %broadcast_in_dim3A_97 = vector.shape_cast %reduce_sum3A_96 : vector<512xf32> to vector<1x512xf32>
    %ge3A_98 = arith.cmpf oge, %broadcast_in_dim3A_97, %mul3A_9 : vector<1x512xf32>
    %select_n3A_99 = arith.select %ge3A_98, %sqrt3A_89, %select_n3A_86 : vector<1x512xi1>, vector<1x512xf32>
    %select_n3A_100 = arith.select %ge3A_98, %select_n3A_87, %sqrt3A_89 : vector<1x512xi1>, vector<1x512xf32>
    %mul3A_101 = arith.mulf %select_n3A_99, %select_n3A_100 : vector<1x512xf32>
    %sqrt3A_102 = math.sqrt %mul3A_101 : vector<1x512xf32>
    %gt3A_103 = vector.broadcast %sqrt3A_102 : vector<1x512xf32> to vector<2888x512xf32>
    %gt3A_104 = arith.cmpf ogt, %exp3A, %gt3A_103 : vector<2888x512xf32>
    %jit3A_105 = arith.constant 0.000000e+00 : f32
    %broadcast_in_dim3A_106 = vector.broadcast %jit3A_105 : f32 to vector<2888x512xf32>
    %select_n3A_107 = arith.select %gt3A_104, %exp3A, %broadcast_in_dim3A_106 : vector<2888x512xi1>, vector<2888x512xf32>
    %reduce_sum3A_108 = arith.constant dense<0.000000e+00> : vector<512xf32>
    %reduce_sum3A_109 = vector.multi_reduction <add>, %select_n3A_107, %reduce_sum3A_108 [0] : vector<2888x512xf32> to vector<512xf32>
    %broadcast_in_dim3A_110 = vector.shape_cast %reduce_sum3A_109 : vector<512xf32> to vector<1x512xf32>
    %ge3A_111 = arith.cmpf oge, %broadcast_in_dim3A_110, %mul3A_9 : vector<1x512xf32>
    %select_n3A_112 = arith.select %ge3A_111, %sqrt3A_102, %select_n3A_99 : vector<1x512xi1>, vector<1x512xf32>
    %select_n3A_113 = arith.select %ge3A_111, %select_n3A_100, %sqrt3A_102 : vector<1x512xi1>, vector<1x512xf32>
    %mul3A_114 = arith.mulf %select_n3A_112, %select_n3A_113 : vector<1x512xf32>
    %sqrt3A_115 = math.sqrt %mul3A_114 : vector<1x512xf32>
    %gt3A_116 = vector.broadcast %sqrt3A_115 : vector<1x512xf32> to vector<2888x512xf32>
    %gt3A_117 = arith.cmpf ogt, %exp3A, %gt3A_116 : vector<2888x512xf32>
    %jit3A_118 = arith.constant 0.000000e+00 : f32
    %broadcast_in_dim3A_119 = vector.broadcast %jit3A_118 : f32 to vector<2888x512xf32>
    %select_n3A_120 = arith.select %gt3A_117, %exp3A, %broadcast_in_dim3A_119 : vector<2888x512xi1>, vector<2888x512xf32>
    %reduce_sum3A_121 = arith.constant dense<0.000000e+00> : vector<512xf32>
    %reduce_sum3A_122 = vector.multi_reduction <add>, %select_n3A_120, %reduce_sum3A_121 [0] : vector<2888x512xf32> to vector<512xf32>
    %broadcast_in_dim3A_123 = vector.shape_cast %reduce_sum3A_122 : vector<512xf32> to vector<1x512xf32>
    %ge3A_124 = arith.cmpf oge, %broadcast_in_dim3A_123, %mul3A_9 : vector<1x512xf32>
    %select_n3A_125 = arith.select %ge3A_124, %sqrt3A_115, %select_n3A_112 : vector<1x512xi1>, vector<1x512xf32>
    %select_n3A_126 = arith.select %ge3A_124, %select_n3A_113, %sqrt3A_115 : vector<1x512xi1>, vector<1x512xf32>
    %mul3A_127 = arith.mulf %select_n3A_125, %select_n3A_126 : vector<1x512xf32>
    %sqrt3A_128 = math.sqrt %mul3A_127 : vector<1x512xf32>
    %gt3A_129 = vector.broadcast %sqrt3A_128 : vector<1x512xf32> to vector<2888x512xf32>
    %gt3A_130 = arith.cmpf ogt, %exp3A, %gt3A_129 : vector<2888x512xf32>
    %jit3A_131 = arith.constant 0.000000e+00 : f32
    %broadcast_in_dim3A_132 = vector.broadcast %jit3A_131 : f32 to vector<2888x512xf32>
    %select_n3A_133 = arith.select %gt3A_130, %exp3A, %broadcast_in_dim3A_132 : vector<2888x512xi1>, vector<2888x512xf32>
    %reduce_sum3A_134 = arith.constant dense<0.000000e+00> : vector<512xf32>
    %reduce_sum3A_135 = vector.multi_reduction <add>, %select_n3A_133, %reduce_sum3A_134 [0] : vector<2888x512xf32> to vector<512xf32>
    %broadcast_in_dim3A_136 = vector.shape_cast %reduce_sum3A_135 : vector<512xf32> to vector<1x512xf32>
    %ge3A_137 = arith.cmpf oge, %broadcast_in_dim3A_136, %mul3A_9 : vector<1x512xf32>
    %select_n3A_138 = arith.select %ge3A_137, %sqrt3A_128, %select_n3A_125 : vector<1x512xi1>, vector<1x512xf32>
    %select_n3A_139 = arith.select %ge3A_137, %select_n3A_126, %sqrt3A_128 : vector<1x512xi1>, vector<1x512xf32>
    %mul3A_140 = arith.mulf %select_n3A_138, %select_n3A_139 : vector<1x512xf32>
    %sqrt3A_141 = math.sqrt %mul3A_140 : vector<1x512xf32>
    %gt3A_142 = vector.broadcast %sqrt3A_141 : vector<1x512xf32> to vector<2888x512xf32>
    %gt3A_143 = arith.cmpf ogt, %exp3A, %gt3A_142 : vector<2888x512xf32>
    %jit3A_144 = arith.constant 0.000000e+00 : f32
    %broadcast_in_dim3A_145 = vector.broadcast %jit3A_144 : f32 to vector<2888x512xf32>
    %select_n3A_146 = arith.select %gt3A_143, %exp3A, %broadcast_in_dim3A_145 : vector<2888x512xi1>, vector<2888x512xf32>
    %reduce_sum3A_147 = arith.constant dense<0.000000e+00> : vector<512xf32>
    %reduce_sum3A_148 = vector.multi_reduction <add>, %select_n3A_146, %reduce_sum3A_147 [0] : vector<2888x512xf32> to vector<512xf32>
    %broadcast_in_dim3A_149 = vector.shape_cast %reduce_sum3A_148 : vector<512xf32> to vector<1x512xf32>
    %ge3A_150 = arith.cmpf oge, %broadcast_in_dim3A_149, %mul3A_9 : vector<1x512xf32>
    %select_n3A_151 = arith.select %ge3A_150, %sqrt3A_141, %select_n3A_138 : vector<1x512xi1>, vector<1x512xf32>
    %select_n3A_152 = arith.select %ge3A_150, %select_n3A_139, %sqrt3A_141 : vector<1x512xi1>, vector<1x512xf32>
    %mul3A_153 = arith.mulf %select_n3A_151, %select_n3A_152 : vector<1x512xf32>
    %sqrt3A_154 = math.sqrt %mul3A_153 : vector<1x512xf32>
    %gt3A_155 = vector.broadcast %sqrt3A_154 : vector<1x512xf32> to vector<2888x512xf32>
    %gt3A_156 = arith.cmpf ogt, %exp3A, %gt3A_155 : vector<2888x512xf32>
    %jit3A_157 = arith.constant 0.000000e+00 : f32
    %broadcast_in_dim3A_158 = vector.broadcast %jit3A_157 : f32 to vector<2888x512xf32>
    %select_n3A_159 = arith.select %gt3A_156, %exp3A, %broadcast_in_dim3A_158 : vector<2888x512xi1>, vector<2888x512xf32>
    %reduce_sum3A_160 = arith.constant dense<0.000000e+00> : vector<512xf32>
    %reduce_sum3A_161 = vector.multi_reduction <add>, %select_n3A_159, %reduce_sum3A_160 [0] : vector<2888x512xf32> to vector<512xf32>
    %broadcast_in_dim3A_162 = vector.shape_cast %reduce_sum3A_161 : vector<512xf32> to vector<1x512xf32>
    %ge3A_163 = arith.cmpf oge, %broadcast_in_dim3A_162, %mul3A_9 : vector<1x512xf32>
    %select_n3A_164 = arith.select %ge3A_163, %sqrt3A_154, %select_n3A_151 : vector<1x512xi1>, vector<1x512xf32>
    %select_n3A_165 = arith.select %ge3A_163, %select_n3A_152, %sqrt3A_154 : vector<1x512xi1>, vector<1x512xf32>
    %mul3A_166 = arith.mulf %select_n3A_164, %select_n3A_165 : vector<1x512xf32>
    %sqrt3A_167 = math.sqrt %mul3A_166 : vector<1x512xf32>
    %gt3A_168 = vector.broadcast %sqrt3A_167 : vector<1x512xf32> to vector<2888x512xf32>
    %gt3A_169 = arith.cmpf ogt, %exp3A, %gt3A_168 : vector<2888x512xf32>
    %jit3A_170 = arith.constant 0.000000e+00 : f32
    %broadcast_in_dim3A_171 = vector.broadcast %jit3A_170 : f32 to vector<2888x512xf32>
    %select_n3A_172 = arith.select %gt3A_169, %exp3A, %broadcast_in_dim3A_171 : vector<2888x512xi1>, vector<2888x512xf32>
    %reduce_sum3A_173 = arith.constant dense<0.000000e+00> : vector<512xf32>
    %reduce_sum3A_174 = vector.multi_reduction <add>, %select_n3A_172, %reduce_sum3A_173 [0] : vector<2888x512xf32> to vector<512xf32>
    %broadcast_in_dim3A_175 = vector.shape_cast %reduce_sum3A_174 : vector<512xf32> to vector<1x512xf32>
    %ge3A_176 = arith.cmpf oge, %broadcast_in_dim3A_175, %mul3A_9 : vector<1x512xf32>
    %select_n3A_177 = arith.select %ge3A_176, %sqrt3A_167, %select_n3A_164 : vector<1x512xi1>, vector<1x512xf32>
    %select_n3A_178 = arith.select %ge3A_176, %select_n3A_165, %sqrt3A_167 : vector<1x512xi1>, vector<1x512xf32>
    %mul3A_179 = arith.mulf %select_n3A_177, %select_n3A_178 : vector<1x512xf32>
    %sqrt3A_180 = math.sqrt %mul3A_179 : vector<1x512xf32>
    %gt3A_181 = vector.broadcast %sqrt3A_180 : vector<1x512xf32> to vector<2888x512xf32>
    %gt3A_182 = arith.cmpf ogt, %exp3A, %gt3A_181 : vector<2888x512xf32>
    %jit3A_183 = arith.constant 0.000000e+00 : f32
    %broadcast_in_dim3A_184 = vector.broadcast %jit3A_183 : f32 to vector<2888x512xf32>
    %select_n3A_185 = arith.select %gt3A_182, %exp3A, %broadcast_in_dim3A_184 : vector<2888x512xi1>, vector<2888x512xf32>
    %reduce_sum3A_186 = arith.constant dense<0.000000e+00> : vector<512xf32>
    %reduce_sum3A_187 = vector.multi_reduction <add>, %select_n3A_185, %reduce_sum3A_186 [0] : vector<2888x512xf32> to vector<512xf32>
    %broadcast_in_dim3A_188 = vector.shape_cast %reduce_sum3A_187 : vector<512xf32> to vector<1x512xf32>
    %ge3A_189 = arith.cmpf oge, %broadcast_in_dim3A_188, %mul3A_9 : vector<1x512xf32>
    %select_n3A_190 = arith.select %ge3A_189, %sqrt3A_180, %select_n3A_177 : vector<1x512xi1>, vector<1x512xf32>
    %select_n3A_191 = arith.select %ge3A_189, %select_n3A_178, %sqrt3A_180 : vector<1x512xi1>, vector<1x512xf32>
    %mul3A_192 = arith.mulf %select_n3A_190, %select_n3A_191 : vector<1x512xf32>
    %sqrt3A_193 = math.sqrt %mul3A_192 : vector<1x512xf32>
    %gt3A_194 = vector.broadcast %sqrt3A_193 : vector<1x512xf32> to vector<2888x512xf32>
    %gt3A_195 = arith.cmpf ogt, %exp3A, %gt3A_194 : vector<2888x512xf32>
    %jit3A_196 = arith.constant 0.000000e+00 : f32
    %broadcast_in_dim3A_197 = vector.broadcast %jit3A_196 : f32 to vector<2888x512xf32>
    %select_n3A_198 = arith.select %gt3A_195, %exp3A, %broadcast_in_dim3A_197 : vector<2888x512xi1>, vector<2888x512xf32>
    %reduce_sum3A_199 = arith.constant dense<0.000000e+00> : vector<512xf32>
    %reduce_sum3A_200 = vector.multi_reduction <add>, %select_n3A_198, %reduce_sum3A_199 [0] : vector<2888x512xf32> to vector<512xf32>
    %broadcast_in_dim3A_201 = vector.shape_cast %reduce_sum3A_200 : vector<512xf32> to vector<1x512xf32>
    %ge3A_202 = arith.cmpf oge, %broadcast_in_dim3A_201, %mul3A_9 : vector<1x512xf32>
    %select_n3A_203 = arith.select %ge3A_202, %sqrt3A_193, %select_n3A_190 : vector<1x512xi1>, vector<1x512xf32>
    %select_n3A_204 = arith.select %ge3A_202, %select_n3A_191, %sqrt3A_193 : vector<1x512xi1>, vector<1x512xf32>
    %mul3A_205 = arith.mulf %select_n3A_203, %select_n3A_204 : vector<1x512xf32>
    %sqrt3A_206 = math.sqrt %mul3A_205 : vector<1x512xf32>
    %gt3A_207 = vector.broadcast %sqrt3A_206 : vector<1x512xf32> to vector<2888x512xf32>
    %gt3A_208 = arith.cmpf ogt, %exp3A, %gt3A_207 : vector<2888x512xf32>
    %jit3A_209 = arith.constant 0.000000e+00 : f32
    %broadcast_in_dim3A_210 = vector.broadcast %jit3A_209 : f32 to vector<2888x512xf32>
    %select_n3A_211 = arith.select %gt3A_208, %exp3A, %broadcast_in_dim3A_210 : vector<2888x512xi1>, vector<2888x512xf32>
    %reduce_sum3A_212 = arith.constant dense<0.000000e+00> : vector<512xf32>
    %reduce_sum3A_213 = vector.multi_reduction <add>, %select_n3A_211, %reduce_sum3A_212 [0] : vector<2888x512xf32> to vector<512xf32>
    %broadcast_in_dim3A_214 = vector.shape_cast %reduce_sum3A_213 : vector<512xf32> to vector<1x512xf32>
    %ge3A_215 = arith.cmpf oge, %broadcast_in_dim3A_214, %mul3A_9 : vector<1x512xf32>
    %select_n3A_216 = arith.select %ge3A_215, %sqrt3A_206, %select_n3A_203 : vector<1x512xi1>, vector<1x512xf32>
    %log3A = math.log %broadcast_in_dim3A_7 : vector<1x512xf32>
    %add3A = arith.addf %broadcast_in_dim3A, %log3A : vector<1x512xf32>
    %sub3A_217 = vector.broadcast %add3A : vector<1x512xf32> to vector<2888x512xf32>
    %sub3A_218 = arith.subf %get3A_3, %sub3A_217 : vector<2888x512xf32>
    %jit3A_219 = arith.constant -7.000000e+01 : f32
    %jit3A_220 = arith.constant 0.000000e+00 : f32
    %max3A = vector.broadcast %jit3A_219 : f32 to vector<2888x512xf32>
    %max3A_221 = arith.maximumf %max3A, %sub3A_218 : vector<2888x512xf32>
    %min3A = vector.broadcast %jit3A_220 : f32 to vector<2888x512xf32>
    %min3A_222 = arith.minimumf %min3A, %max3A_221 : vector<2888x512xf32>
    %gt3A_223 = vector.broadcast %select_n3A_216 : vector<1x512xf32> to vector<2888x512xf32>
    %gt3A_224 = arith.cmpf ogt, %exp3A, %gt3A_223 : vector<2888x512xf32>
    %jit3A_225 = arith.constant -7.000000e+01 : f32
    %broadcast_in_dim3A_226 = vector.broadcast %jit3A_225 : f32 to vector<2888x512xf32>
    %select_n3A_227 = arith.select %gt3A_224, %min3A_222, %broadcast_in_dim3A_226 : vector<2888x512xi1>, vector<2888x512xf32>
    %swap3A = arith.constant 0 : index
    %swap3A_228 = arith.constant 0 : index
    %swap3A_229 = arith.constant 0 : index
    %swap3A_230 = vector.load %arg3[%swap3A, %swap3A_228, %swap3A_229] : memref<1x2888x512xf32, #tpu.memory_space<vmem>>, vector<1x2888x512xf32>
    %swap3A_231 = vector.shape_cast %swap3A_230 : vector<1x2888x512xf32> to vector<2888x512xf32>
    %swap3A_232 = vector.shape_cast %select_n3A_227 : vector<2888x512xf32> to vector<1x2888x512xf32>
    tpu.vector_store %arg3[%swap3A, %swap3A_228, %swap3A_229], %swap3A_232 {strides = array<i32>} : memref<1x2888x512xf32, #tpu.memory_space<vmem>>, vector<1x2888x512xf32>,
    return
  }
  func.func @transform_0(%arg0: i32, %arg1: i32) -> (i32, i32, i32) {
    %c0_i32 = arith.constant 0 : i32
    %c0_i32_0 = arith.constant 0 : i32
    return %arg0, %c0_i32, %arg1 : i32, i32, i32
  }
  func.func @transform_1(%arg0: i32, %arg1: i32) -> (i32, i32, i32) {
    %c0_i32 = arith.constant 0 : i32
    %c0_i32_0 = arith.constant 0 : i32
    return %arg0, %c0_i32, %arg1 : i32, i32, i32
  }
}

</mosaic_0001>

<sc_bundles>
// kernel: kernel.4.cloned.1.call-start
scs
__scs_entry_jumppad:
0x0: {  	(pc) =	sbr.rel $0x88, $3  }
0x1: {  	(tag) =	ssettag $0x0;
	lr =	simm.s32 $0x1  }
0x2: {  	[smem:$0x3FA0] =	sst lr;
	_ =	strace $0xD0000000  }
0x3: {  	_ = 	snop  }
0x4: {  	_ = 	snop  }
0x5: {  	_ = 	snop  }
0x6: {  	_ = 	snop  }
0x7: {  	_ = 	snop  }
__scs_overlays_trampoline_lowered:
0x8: {  	[smem:$0x3FAF] =	sst s0  }
0x9: {  	[smem:$0x3FB0] =	sst s1  }
0xa: {  	[smem:$0x3FB1] =	sst s2  }
0xb: {  	[smem:$0x3FB2] =	sst s3  }
0xc: {  	[smem:$0x3FB3] =	sst s4  }
0xd: {  	[smem:$0x3FB4] =	sst s5  }
0xe: {  	[smem:$0x3FB5] =	sst s6  }
0xf: {  	[smem:$0x3FB6] =	sst s7  }
0x10: {  	[smem:$0x3FB7] =	sst s8  }
0x11: {  	[smem:$0x3FB8] =	sst s9;
	s0 =	simm.s32 @!p0 $0x0  }
0x12: {  	s1 =	sld [smem:$0x3F9E];
	s0 =	simm.s32 @p0 $0x1  }
0x13: {  	[smem:$0x3FB9] =	sst s0;
	s0 =	simm.s32 @!p1 $0x0  }
0x14: {  	s2 =	sld [smem:$0x3F9D];
	s0 =	simm.s32 @p1 $0x1  }
0x15: {  	[smem:$0x3FBA] =	sst s0;
	s0 =	simm.s32 @!p2 $0x0  }
0x16: {  	s3 =	sld [smem:$0x3FDB];
	s0 =	simm.s32 @p2 $0x1  }
0x17: {  	s4 =	simm.s32 $0x1BF5;
	[smem:$0x3FBC] =	sst s0  }
0x18: {  	s0 =	sld [smem:$0x3F9F];
	_ =	swait.ge [sflag:s4], $0x0  }
0x19: {  	s7 =	sld [smem:$0x3FA0]  }
0x1a: {  	s8 =	sadd.s32 $0xFFFFE003, lr  }
0x1b: {  	s9 =	sadd.s32 $0xFFFFFEF7, lr;
	s5 =	simm.s32 $0xFFFFFFFF;
	p2 =	slt.u32 s8, $0xFFFFF086  }
0x1c: {  	p1 =	slt.u32 s9, $0xF7A;
	s5 =	simm.s32 @!p2 $0x0  }
0x1d: {  	s5 =	simm.s32 @p1 $0x1;
	p0 =	seq.s32 s7, s2  }
0x1e: {  	s7 =	smul.u32 @!p0 $0xF7A, s2;
	p2 =	seq.s32 @!p0 s5, $0x0  }
0x1f: {  	s9 =	smul.u32 $0xF7A, s1;
	s8 =	simm.s32 @!p0 $0x1BF5;
	p2 =	por !p2, p0  }
0x20: {  	[sflag:s8] =	ssyncset.s32 @!p0 $0xFFFFF086;
	s6 =	sadd.s32 @!p0 s3, s7;
	s7 =	simm.s32 @!p0 $0x108  }
0x21: {  	s3 =	sadd.s32 s3, s9;
	s6 =	sadd.s32 @!p0 $0x88, s6;
	s7 =	simm.s32 @p2 $0x1082  }
0x22: {  	[simem:s7], [sflag:s8] =	dma.local @!p0 [hbm:s6], $0xF7A  }
0x23: {  	s9 =	sor.u32 $0xD0000000, s2;
	s6 =	simm.s32 $0x108;
	_ =	swait.ge @!p0 [sflag:s8], $0x0  }
0x24: {  	s3 =	sadd.s32 $0x88, s3;
	s6 =	simm.s32 @!p1 $0x1082;
	[sflag:s4] =	ssyncset.s32 $0xFFFFF086  }
0x25: {  	[simem:s6], [sflag:s4] =	dma.local [hbm:s3], $0xF7A  }
0x26: {  	[smem:$0x3FA0] =	sst s1;
	(tag) =	ssettag s2;
	_ =	strace s9  }
0x27: {  	s1 =	sld [smem:$0x3FB0]  }
0x28: {  	s2 =	sld [smem:$0x3FB1]  }
0x29: {  	s4 =	sld [smem:$0x3FB3]  }
0x2a: {  	p0 =	seq.s32 s5, $0x0;
	s5 =	sld [smem:$0x3FB4]  }
0x2b: {  	s6 =	sld [smem:$0x3FB5]  }
0x2c: {  	s7 =	sld [smem:$0x3FB6]  }
0x2d: {  	s3 =	simm.s32 $0x108;
	s8 =	sld [smem:$0x3FB7]  }
0x2e: {  	s3 =	simm.s32 @!p0 $0x1082;
	s9 =	sld [smem:$0x3FB8]  }
0x2f: {  	lr =	sadd.s32 s0, s3;
	s0 =	sld [smem:$0x3FAF]  }
0x30: {  	s3 =	sld [smem:$0x3FB2]  }
0x31: {  	[smem:$0x3FBB] =	sst s10  }
0x32: {  	s10 =	sld [smem:$0x3FB9];
	_ =	sdelay $0x3  }
0x33: {  	p0 =	seq.s32 s10, $0x1;
	s10 =	sld [smem:$0x3FBB];
	_ =	sdelay $0x3  }
0x34: {  	[smem:$0x3FBB] =	sst s10  }
0x35: {  	s10 =	sld [smem:$0x3FBA];
	_ =	sdelay $0x3  }
0x36: {  	p1 =	seq.s32 s10, $0x1;
	s10 =	sld [smem:$0x3FBB];
	_ =	sdelay $0x3  }
0x37: {  	[smem:$0x3FBB] =	sst s10  }
0x38: {  	s10 =	sld [smem:$0x3FBC]  }
0x39: {  	_ = 	snop;
	(pc) =	sbr.ind lr, $3  }
0x3a: {  	_ = 	snop  }
0x3b: {  	_ = 	snop  }
0x3c: {  	p2 =	seq.s32 s10, $0x1;
	s10 =	sld [smem:$0x3FBB]  }
0x3d: {  	_ =	shalt  }
0x3e: {  	_ =	shalt  }
0x3f: {  	_ =	shalt  }
0x40: {  	_ =	shalt  }
0x41: {  	_ =	shalt  }
0x42: {  	_ =	shalt  }
0x43: {  	_ =	shalt  }
0x44: {  	_ =	shalt  }
0x45: {  	_ =	shalt  }
0x46: {  	_ =	shalt  }
0x47: {  	_ =	shalt  }
0x48: {  	_ =	shalt  }
0x49: {  	_ =	shalt  }
0x4a: {  	_ =	shalt  }
0x4b: {  	_ =	shalt  }
0x4c: {  	_ =	shalt  }
0x4d: {  	_ =	shalt  }
0x4e: {  	_ =	shalt  }
0x4f: {  	_ =	shalt  }
0x50: {  	_ =	shalt  }
0x51: {  	_ =	shalt  }
0x52: {  	_ =	shalt  }
0x53: {  	_ =	shalt  }
0x54: {  	_ =	shalt  }
0x55: {  	_ =	shalt  }
0x56: {  	_ =	shalt  }
0x57: {  	_ =	shalt  }
0x58: {  	_ =	shalt  }
0x59: {  	_ =	shalt  }
0x5a: {  	_ =	shalt  }
0x5b: {  	_ =	shalt  }
0x5c: {  	_ =	shalt  }
0x5d: {  	_ =	shalt  }
0x5e: {  	_ =	shalt  }
0x5f: {  	_ =	shalt  }
0x60: {  	_ =	shalt  }
0x61: {  	_ =	shalt  }
0x62: {  	_ =	shalt  }
0x63: {  	_ =	shalt  }
0x64: {  	_ =	shalt  }
0x65: {  	_ =	shalt  }
0x66: {  	_ =	shalt  }
0x67: {  	_ =	shalt  }
0x68: {  	_ =	shalt  }
0x69: {  	_ =	shalt  }
0x6a: {  	_ =	shalt  }
0x6b: {  	_ =	shalt  }
0x6c: {  	_ =	shalt  }
0x6d: {  	_ =	shalt  }
0x6e: {  	_ =	shalt  }
0x6f: {  	_ =	shalt  }
0x70: {  	_ =	shalt  }
0x71: {  	_ =	shalt  }
0x72: {  	_ =	shalt  }
0x73: {  	_ =	shalt  }
0x74: {  	_ =	shalt  }
0x75: {  	_ =	shalt  }
0x76: {  	_ =	shalt  }
0x77: {  	_ =	shalt  }
0x78: {  	_ =	shalt  }
0x79: {  	_ =	shalt  }
0x7a: {  	_ =	shalt  }
0x7b: {  	_ =	shalt  }
0x7c: {  	_ =	shalt  }
0x7d: {  	_ =	shalt  }
0x7e: {  	_ =	shalt  }
0x7f: {  	_ =	shalt  }
0x80: {  	_ =	shalt  }
0x81: {  	_ =	shalt  }
0x82: {  	_ =	shalt  }
0x83: {  	_ =	shalt  }
0x84: {  	_ =	shalt  }
0x85: {  	_ =	shalt  }
0x86: {  	_ =	shalt  }
0x87: {  	_ =	shalt  }
.Lfunc_end0:
.L_simem_size_0:
called_computation.1_lowered:
.L_overlay_start_0:
0x88: {  	s2 =	sld [smem:$0x3FD9]  }
0x89: {  	s3 =	sld [smem:$0x3FFE];
	_ =	sdelay $0x1  }
0x8a: {  	s1 =	srdreg.scid  }
0x8b: {  	s0 =	sand.u32 $0x1, s1  }
0x8c: {  	s16 =	sshll.u32 s0, $0xA;
	s2 =	sadd.s32 s3, s2  }
0x8d: {  	s2 =	sadd.s32 s2, s16  }
0x8e: {  	[smem:$0x3FC7] =	sst s2  }
0x8f: {  	_ = 	snop  }
0x90: {  	(tm) =	ssettm $0x1  }
0x91: {  	s17 =	sld [smem:$0x3FFB];
	_ =	sdelay $0x3  }
0x92: {  	_ =	strace s17  }
0x93: {  	s2 =	sld [smem:$0x3FFC];
	_ =	sdelay $0x3  }
0x94: {  	_ =	strace s2  }
0x95: {  	s2 =	sld [smem:$0x3FFD];
	_ =	sdelay $0x3  }
0x96: {  	_ =	strace s2  }
0x97: {  	_ =	strace $0x8FFFFFFF  }
0x98: {  	s18 =	sld [smem:$0x3FDB];
	_ =	sdelay $0x1  }
0x99: {  	s19 =	simm.s32 $_scs_section_size  }
0x9a: {  	s4 =	simm.s32 $_size__tile_overlayer_lowered;
	s5 =	simm.s32 $_tile_overlayer_lowered  }
0x9b: {  	s22 =	simm.s32 $0x1BFF;
	s21 =	sshll.u32 s5, $0x1;
	s2 =	sadd.s32 s19, s18  }
0x9c: {  	s6 =	simm.s32 $0x0;
	s20 =	sshll.u32 s4, $0x1;
	s4 =	sadd.s32 s21, s2  }
0x9d: {  	[timem:s6], [sflag:s22] =	dma.local [hbm:s4], s20  }
0x9e: {  	_ =	swait.ge [sflag:s22], s20  }
0x9f: {  	s3 =	ssub.s32 $0x0, s20;
	[sflag:s22] =	ssyncset.done $0x0  }
0xa0: {  	[sflag:s22] =	ssyncadd.s32 s3;
	_ =	sdelay $0x1  }
0xa1: {  	s23 =	simm.s32 $0x1B8B  }
0xa2: {  	_ =	swait.ge [sflag:s23], $0x1  }
0xa3: {  	[sflag:s23] =	ssyncset.done $0x0  }
0xa4: {  	s25 =	simm.s32 $0x1B8E;
	s24 =	sld [smem:$0x3FFE];
	[sflag:s23] =	ssyncadd.s32 $0xFFFFFFFF  }
0xa5: {  	s26 =	simm.s32 $execute0_lowered;
	[smem:$0x3FD2] =	sst s25  }
0xa6: {  	s4 =	sshll.u32 s26, $0x1;
	_ =	strace $0x80000049;
	[dreg:$0x1] =	wrdreg $0xFFFFFFFF  }
0xa7: {  	s28 =	simm.s32 $_size_execute0_lowered;
	s2 =	sadd.s32 s2, s4;
	[dreg:$0x0] =	wrdreg $0x0  }
0xa8: {  	s4 =	sshll.u32 s28, $0x1;
	[dreg:$0x2] =	wrdreg s2  }
0xa9: {  	[dreg:$0x3] =	wrdreg s4  }
0xaa: {  	[dreg:$0x4] =	wrdreg $0xC0  }
0xab: {  	_ =	task [dreg:s6], $0x5FFFF  }
0xac: {  	[dreg:$0x1] =	wrdreg $0xFFFFFFFF  }
0xad: {  	[dreg:$0x0] =	wrdreg $0x60  }
0xae: {  	[dreg:$0x2] =	wrdreg s24  }
0xaf: {  	[dreg:$0x3] =	wrdreg $0x9  }
0xb0: {  	_ =	task.clear_ibuf [dreg:s6], $0x4FFFF;
	_ =	strace $0x90000049  }
0xb1: {  	s29 =	simm.s32 $0x9;
	_ =	strace $0x8000004B  }
0xb2: {  	_ =	swait.ge [sflag:s29], $0x1  }
0xb3: {  	[sflag:s29] =	ssyncadd.s32 $0xFFFFFFFF  }
0xb4: {  	_ =	strace $0x9000004B  }
0xb5: {  	_ =	sfence  }
0xb6: {  	s30 =	sld [smem:$0x0];
	_ =	sdelay $0x2  }
0xb7: {  	s31 =	sshll.u32 s1, $0xD;
	s1 =	sshrl.u32 s1, $0x2  }
0xb8: {  	s3 =	sand.u32 $0x4000, s31;
	s1 =	sadd.s32 s1, s30  }
0xb9: {  	s0 =	sor.u32 s3, s0;
	s1 =	sshll.u32 s1, $0x11  }
0xba: {  	s0 =	sor.u32 s1, s0  }
0xbb: {  	s0 =	sadd.s32 $0x8F2B, s0  }
0xbc: {  	[sflag:s0] =	ssyncadd.remote.s32 $0x1  }
0xbd: {  	_ =	sfence.sel $0xFFFF  }
0xbe: {  	[dreg:$0x0] =	wrdreg $0xFFFFFFFF;
	(pc) =	sbr.abs _section_cstart, $3  }
0xbf: {  	[dreg:$0x1] =	wrdreg $0xFFFFFFFF  }
0xc0: {  	_ =	task.clear_ibuf [dreg:s6], $0x2FFFF;
	_ =	strace $0x9FFFFFFF  }
0xc1: {  	(tm) =	ssettm $0x7FFFFFFF  }
tec
execute0_lowered:
.L_overlay_start_1:
0x0: {  	(tag) =	ssettag $0x1  }
0x1: {  	s1 =	srdreg.scid  }
0x2: {  	s0 =	stileid.u32;
	s6 =	rddreg [dreg:$0x0];
	s4 =	simm.s32 $0x0  }
0x3: {  	s10 =	simm.s32 $0x400;
	s11 =	simm.s32 $0x1;
	s5 =	sand.u32 $0x1, s1  }
0x4: {  	s12 =	simm.s32 $0xB480;
	s26 =	sshll.u32 s0, $0x4;
	s2 =	sshll.u32 s5, $0x3  }
0x5: {  	s13 =	simm.s32 $0x2;
	s28 =	sshrl.u32 s0, $0x2;
	s2 =	sor.u32 s2, s26  }
0x6: {  	s1 =	rddreg [dreg:$0x1];
	s3 =	smul.u32 $0x2D2000, s28;
	s7 =	sshll.u32 s2, $0x4  }
0x7: {  	s14 =	simm.s32 $0x0;
	[smem:$0x7FF] =	sst s4;
	s7 =	sand.u32 $0x380, s7  }
0x8: {  	s8 =	ssub.s32 $0x2, s5;
	_ =	strace $0x8000004A;
	s29 =	sor.u32 s7, s3  }
0x9: {  	s5 =	sadd.s32 $0x800, s6;
	s30 =	sshrl.u32 s8, $0x1;
	s9 =	sadd.s32 $0x21D8000, s29  }
0xa: {  	s6 =	sadd.s32 $0x5A4800, s6;
	s8 =	ssub.s32 s8, s30;
	s31 =	sshrl.u32 s9, $0x3  }
0xb: {  	s8 =	smax.u32 s8, $0x1;
	s9 =	simm.s32 $0x10;
	s7 =	sadd.s32 s5, s31  }
.LBB2_1:
0xc: {  	[tilespmem:s4], [sflag:$0x1] =	stream.strided.gather [hbm4b:s7+s9], $0xB480, s10, s9, $0x38;
	[tilespmem:$0x16900] =	vst v63  }
0xd: {  	s15 =	simm.s32 $0x0  }
.LBB2_2:
0xe: {  	_ =	swait.ge [sflag:s11], $0xB480  }
0xf: {  	[sflag:s11] =	ssyncset.done $0x0  }
0x10: {  	s16 =	simm.s32 $0x0;
	[sflag:s11] =	ssyncadd.s32 $0xFFFF4B80  }
0x11: {  	v9 =	vld [tilespmem:s16+$0x40]  }
0x12: {  	v1 =	vld [tilespmem:s16+$0x50]  }
0x13: {  	v0 =	vld [tilespmem:s16+$0x60]  }
0x14: {  	v4 =	vld [tilespmem:s16+$0x0]  }
0x15: {  	v3 =	vimm.f32 $-1.000000020e+30;
	v2 =	vld [tilespmem:s16+$0x10]  }
0x16: {  	s17 =	simm.s32 $0x200;
	v5 =	vimm.f32 $-1.000000020e+30;
	v6 =	vimm.f32 $-1.000000020e+30;
	v8 =	vimm.f32 $-1.000000020e+30;
	v7 =	vld [tilespmem:s16+$0x20]  }
.LBB2_3:
0x17: {  	p0 =	sne.s32 s17, $0x2D000;
	v10 =	vld [tilespmem:s16+$0x30];
	v11 =	vmov v1  }
0x18: {  	v12 =	vld [tilespmem:s16+$0x70];
	s16 =	sshra.s32 s17, $0x2;
	v13 =	vmov v0  }
0x19: {  	v14 =	vld [tilespmem:s16+$0x40]  }
.Ltmp0:
0x1a: {  	v3 =	vmax.f32 v3, v4;
	v1 =	vld [tilespmem:s16+$0x50];
	(pc) =	sbr.rel @p0 .LBB2_3-.Ltmp0, $4  }
0x1b: {  	v3 =	vmax.f32 v3, v9;
	v0 =	vld [tilespmem:s16+$0x60]  }
0x1c: {  	v5 =	vmax.f32 v5, v2;
	v6 =	vmax.f32 v6, v7;
	v4 =	vld [tilespmem:s16+$0x0];
	v7 =	vmax.f32 v8, v10  }
0x1d: {  	v5 =	vmax.f32 v5, v11;
	v6 =	vmax.f32 v6, v13;
	v2 =	vld [tilespmem:s16+$0x10];
	v8 =	vmax.f32 v7, v12  }
0x1e: {  	s17 =	sadd.s32 $0x200, s17;
	v7 =	vld [tilespmem:s16+$0x20];
	v9 =	vmov v14  }
0x1f: {  	v10 =	vld [tilespmem:s16+$0x30];
	p0 =	seq.s32 s15, $0x0  }
0x20: {  	v11 =	vld [tilespmem:s16+$0x70];
	s16 =	simm.s32 @!p0 $0x2  }
0x21: {  	_ =	swait.ge @!p0 [sflag:s16], $0xB480  }
0x22: {  	[sflag:s16] =	ssyncset.done @!p0 $0x0  }
0x23: {  	s19 =	simm.s32 $0x0;
	v3 =	vmax.f32 v3, v4;
	[sflag:s16] =	ssyncadd.s32 @!p0 $0xFFFF4B80  }
0x24: {  	v3 =	vmax.f32 v3, v9;
	v4 =	vld [tilespmem:s19+$0x0]  }
0x25: {  	v2 =	vmax.f32 v5, v2;
	v5 =	vmax.f32 v6, v7;
	v6 =	vmax.f32 v8, v10  }
0x26: {  	v1 =	vmax.f32 v2, v1;
	v0 =	vmax.f32 v5, v0;
	v5 =	vld [tilespmem:s19+$0x10];
	v2 =	vmax.f32 v6, v11  }
0x27: {  	v1 =	vmax.f32 v3, v1;
	v0 =	vmax.f32 v0, v2  }
0x28: {  	v0 =	vmax.f32 v1, v0;
	v1 =	vld [tilespmem:s19+$0x20]  }
0x29: {  	v3 =	vsub.f32 v4, v0;
	v4 =	vld [tilespmem:s19+$0x30]  }
0x2a: {  	v6 =	vld [tilespmem:s19+$0x40]  }
0x2b: {  	v5 =	vsub.f32 v5, v0  }
0x2c: {  	v7 =	vld [tilespmem:s19+$0x50];
	v3 =	vmul.f32 $1.442695020e+00, v3  }
0x2d: {  	v2 =	vld [tilespmem:s19+$0x60];
	v5 =	vmul.f32 $1.442695020e+00, v5;
	v1 =	vsub.f32 v1, v0  }
0x2e: {  	s17 =	simm.s32 $0x80;
	v8 =	vld [tilespmem:s19+$0x70];
	(erf) = vpow2.f32 v3;
	v3 =	vsub.f32 v4, v0  }
0x2f: {  	v9 =	vld [tilespmem:s17+$0x60];
	v1 =	vmul.f32 $1.442695020e+00, v1;
	(erf) = vpow2.f32 v5;
	v5 =	vsub.f32 v6, v0  }
0x30: {  	v10 =	vld [tilespmem:s17+$0x0];
	v3 =	vmul.f32 $1.442695020e+00, v3  }
0x31: {  	v4 =	vld [tilespmem:s17+$0x40];
	(erf) = vpow2.f32 v1;
	v1 =	vmul.f32 $1.442695020e+00, v5;
	v5 =	vsub.f32 v7, v0  }
0x32: {  	v2 =	vsub.f32 v2, v0;
	v6 =	vld [tilespmem:s17+$0x20]  }
0x33: {  	v8 =	vsub.f32 v8, v0;
	v7 =	vld [tilespmem:s17+$0x10];
	(erf) = vpow2.f32 v3;
	v3 =	vmul.f32 $1.442695020e+00, v5  }
0x34: {  	(erf) = vpow2.f32 v1;
	v1 =	vmul.f32 $1.442695020e+00, v2  }
0x35: {  	v11 =	vld [tilespmem:s17+$0x30];
	v2 =	vmul.f32 $1.442695020e+00, v8;
	(erf) = vpow2.f32 v3  }
0x36: {  	v8 =	vsub.f32 v10, v0;
	(erf) = vpow2.f32 v1  }
0x37: {  	v12 =	vld [tilespmem:s17+$0x50];
	v9 =	vsub.f32 v9, v0;
	v4 =	vsub.f32 v4, v0;
	(erf) = vpow2.f32 v2  }
0x38: {  	v15 =	vsub.f32 v6, v0;
	v7 =	vsub.f32 v7, v0;
	v8 =	vmul.f32 $1.442695020e+00, v8  }
0x39: {  	v13 =	vimm.f32 $0.0e+00;
	s18 =	simm.s32 $0x100;
	v5 =	vld [tilespmem:s17+$0x70];
	v1 =	vmul.f32 $1.442695020e+00, v9;
	v6 =	vmul.f32 $1.442695020e+00, v4;
	v10 =	vpop (erf)  }
0x3a: {  	v3 =	vld [tilespmem:s18+$0x60];
	v9 =	vsub.f32 v11, v0;
	v15 =	vmul.f32 $1.442695020e+00, v15;
	[tilespmem:s19+$0xB480] =	vst v10;
	v14 =	vpop (erf);
	v7 =	vmul.f32 $1.442695020e+00, v7  }
0x3b: {  	(erf) = vpow2.f32 v8;
	v10 =	vadd.f32 v10, v13;
	v2 =	vld [tilespmem:s18+$0x40];
	[tilespmem:s19+$0xB490] =	vst v14;
	v13 =	vadd.f32 v14, v13;
	v11 =	vpop (erf)  }
0x3c: {  	v8 =	vmul.f32 $1.442695020e+00, v9;
	v9 =	vsub.f32 v12, v0;
	v4 =	vld [tilespmem:s18+$0x20];
	(erf) = vpow2.f32 v7;
	[tilespmem:s19+$0xB4A0] =	vst v11;
	v12 =	vpop (erf)  }
0x3d: {  	s20 =	simm.s32 $0x600;
	s16 =	sor.u32 s2, s15;
	(erf) = vpow2.f32 v15;
	v11 =	vadd.f32 v11, v10;
	v7 =	vld [tilespmem:s18+$0x0];
	[tilespmem:s19+$0xB4B0] =	vst v12;
	v10 =	vadd.f32 v12, v13;
	v12 =	vpop (erf)  }
.LBB2_5:
0x3e: {  	p0 =	sne.s32 s20, $0x2D000;
	v13 =	vld [tilespmem:s18+$0x10];
	v14 =	vmul.f32 $1.442695020e+00, v9;
	v5 =	vsub.f32 v5, v0;
	(erf) = vpow2.f32 v8;
	[tilespmem:s19+$0xB4C0] =	vst v12;
	v8 =	vpop (erf)  }
0x3f: {  	(erf) = vpow2.f32 v6;
	[tilespmem:s19+$0xB4D0] =	vst v8;
	v6 =	vadd.f32 v12, v11;
	v8 =	vadd.f32 v8, v10;
	v10 =	vpop (erf)  }
0x40: {  	v3 =	vsub.f32 v3, v0;
	v11 =	vld [tilespmem:s18+$0x30];
	v5 =	vmul.f32 $1.442695020e+00, v5;
	(erf) = vpow2.f32 v14;
	[tilespmem:s19+$0xB4E0] =	vst v10;
	v9 =	vpop (erf)  }
0x41: {  	(erf) = vpow2.f32 v1;
	[tilespmem:s19+$0xB4F0] =	vst v9;
	v10 =	vadd.f32 v10, v6;
	v8 =	vadd.f32 v9, v8;
	s19 =	smov.u32 s17;
	s17 =	smov.u32 s18  }
0x42: {  	v2 =	vsub.f32 v2, v0;
	v6 =	vsub.f32 v7, v0;
	v7 =	vld [tilespmem:s17+$0x50];
	(erf) = vpow2.f32 v5  }
0x43: {  	v16 =	vsub.f32 v4, v0;
	v1 =	vmul.f32 $1.442695020e+00, v3;
	v9 =	vsub.f32 v13, v0  }
.Ltmp1:
0x44: {  	s18 =	sshra.s32 s20, $0x2;
	v12 =	vmul.f32 $1.442695020e+00, v6;
	v6 =	vmul.f32 $1.442695020e+00, v2;
	v5 =	vld [tilespmem:s17+$0x70];
	v13 =	vpop (erf);
	(pc) =	sbr.rel @p0 .LBB2_5-.Ltmp1, $4  }
0x45: {  	v15 =	vmul.f32 $1.442695020e+00, v16;
	v3 =	vld [tilespmem:s18+$0x60];
	v14 =	vmul.f32 $1.442695020e+00, v9;
	v9 =	vsub.f32 v11, v0;
	[tilespmem:s19+$0xB480] =	vst v13;
	v4 =	vpop (erf)  }
0x46: {  	v10 =	vadd.f32 v13, v10;
	v2 =	vld [tilespmem:s18+$0x40];
	(erf) = vpow2.f32 v12;
	[tilespmem:s19+$0xB490] =	vst v4;
	v16 =	vadd.f32 v4, v8;
	v11 =	vpop (erf)  }
0x47: {  	v4 =	vld [tilespmem:s18+$0x20];
	v8 =	vmul.f32 $1.442695020e+00, v9;
	v9 =	vsub.f32 v7, v0;
	(erf) = vpow2.f32 v14;
	[tilespmem:s19+$0xB4A0] =	vst v11;
	v13 =	vpop (erf)  }
0x48: {  	s20 =	sadd.s32 $0x200, s20;
	v11 =	vadd.f32 v11, v10;
	v7 =	vld [tilespmem:s18+$0x0];
	(erf) = vpow2.f32 v15;
	[tilespmem:s19+$0xB4B0] =	vst v13;
	v10 =	vadd.f32 v13, v16;
	v12 =	vpop (erf)  }
0x49: {  	_ = 	snop  }
0x4a: {  	v13 =	vld [tilespmem:s18+$0x10];
	[tilespmem:s19+$0xB4C0] =	vst v12;
	v14 =	vpop (erf)  }
0x4b: {  	v5 =	vsub.f32 v5, v0;
	(erf) = vpow2.f32 v8;
	v9 =	vmul.f32 $1.442695020e+00, v9;
	[tilespmem:s19+$0xB4D0] =	vst v14;
	v52 =	vpop (erf)  }
0x4c: {  	(erf) = vpow2.f32 v6;
	v6 =	vadd.f32 v12, v11;
	v15 =	vld [tilespmem:s18+$0x30];
	[tilespmem:s19+$0xB4E0] =	vst v52;
	v53 =	vpop (erf)  }
0x4d: {  	v5 =	vmul.f32 $1.442695020e+00, v5;
	(erf) = vpow2.f32 v9;
	[tilespmem:s19+$0xB4F0] =	vst v53;
	v7 =	vsub.f32 v7, v0  }
0x4e: {  	v10 =	vadd.f32 v14, v10;
	v3 =	vsub.f32 v3, v0;
	(erf) = vpow2.f32 v1;
	v54 =	vld [tilespmem:s18+$0x50]  }
0x4f: {  	v1 =	vsub.f32 v2, v0;
	(erf) = vpow2.f32 v5;
	v5 =	vmul.f32 $1.442695020e+00, v7  }
0x50: {  	v4 =	vsub.f32 v4, v0;
	v2 =	vsub.f32 v13, v0;
	v7 =	vld [tilespmem:s18+$0x70]  }
0x51: {  	v6 =	vadd.f32 v52, v6;
	v3 =	vmul.f32 $1.442695020e+00, v3;
	v55 =	vsub.f32 v15, v0  }
0x52: {  	v10 =	vadd.f32 v53, v10;
	v4 =	vmul.f32 $1.442695020e+00, v4;
	v56 =	vpop (erf);
	v2 =	vmul.f32 $1.442695020e+00, v2  }
0x53: {  	(erf) = vpow2.f32 v5;
	v9 =	vmul.f32 $1.442695020e+00, v55;
	v8 =	vsub.f32 v54, v0;
	v5 =	vpop (erf)  }
0x54: {  	(erf) = vpow2.f32 v2;
	v2 =	vadd.f32 v56, v6;
	v6 =	vadd.f32 v5, v10  }
0x55: {  	v1 =	vmul.f32 $1.442695020e+00, v1;
	(erf) = vpow2.f32 v4;
	v7 =	vsub.f32 v7, v0  }
0x56: {  	v4 =	vpop (erf);
	v8 =	vmul.f32 $1.442695020e+00, v8;
	(erf) = vpow2.f32 v9  }
0x57: {  	v57 =	vpop (erf);
	(erf) = vpow2.f32 v1;
	v7 =	vmul.f32 $1.442695020e+00, v7  }
0x58: {  	v2 =	vadd.f32 v4, v2;
	v1 =	vadd.f32 v57, v6;
	v6 =	vpop (erf);
	(erf) = vpow2.f32 v8  }
0x59: {  	v58 =	vpop (erf);
	(erf) = vpow2.f32 v3  }
0x5a: {  	v2 =	vadd.f32 v6, v2;
	v1 =	vadd.f32 v58, v1;
	v3 =	vpop (erf);
	(erf) = vpow2.f32 v7  }
0x5b: {  	v7 =	vpop (erf)  }
0x5c: {  	v2 =	vadd.f32 v3, v2;
	v1 =	vadd.f32 v7, v1;
	v59 =	vpop (erf)  }
0x5d: {  	v60 =	vpop (erf)  }
0x5e: {  	v2 =	vadd.f32 v59, v2;
	v1 =	vadd.f32 v60, v1;
	v61 =	vpop (erf)  }
0x5f: {  	v62 =	vpop (erf)  }
0x60: {  	v2 =	vadd.f32 v61, v2;
	v1 =	vadd.f32 v62, v1;
	v63 =	vpop (erf)  }
0x61: {  	v16 =	vpop (erf)  }
0x62: {  	v2 =	vadd.f32 v63, v2;
	v1 =	vadd.f32 v16, v1;
	v17 =	vpop (erf)  }
0x63: {  	v18 =	vpop (erf)  }
0x64: {  	v2 =	vadd.f32 v17, v2;
	v1 =	vadd.f32 v18, v1;
	_ =	sdelay $0x1  }
0x65: {  	v2 =	vadd.f32 v1, v2;
	_ =	sdelay $0x1  }
0x66: {  	v1 =	vshrl.u32 v2, $0x17  }
0x67: {  	v1 =	vadd.s32 $0xFFFFFF81, v1  }
0x68: {  	v1 =	vcvt.s32.f32 v1;
	_ =	sdelay $0x1  }
0x69: {  	v1 =	vmul.f32 $6.931471820e-01, v1;
	_ =	sdelay $0x1  }
0x6a: {  	v19 =	vsub.f32 $0.0e+00, v1;
	_ =	sdelay $0x1  }
0x6b: {  	v19 =	vmul.f32 $1.442695020e+00, v19;
	_ =	sdelay $0x1  }
0x6c: {  	(erf) = vpow2.f32 v19;
	_ =	sdelay $0x8  }
0x6d: {  	v19 =	vpop (erf)  }
0x6e: {  	v1 =	vadd.f32 $-1.000000000e+00, v1;
	v19 =	vmul.f32 v19, v2;
	_ =	sdelay $0x1  }
0x6f: {  	v1 =	vadd.f32 v19, v1;
	_ =	sdelay $0x1  }
0x70: {  	v19 =	vsub.f32 $0.0e+00, v1;
	_ =	sdelay $0x1  }
0x71: {  	v19 =	vmul.f32 $1.442695020e+00, v19;
	_ =	sdelay $0x1  }
0x72: {  	(erf) = vpow2.f32 v19;
	_ =	sdelay $0x8  }
0x73: {  	v19 =	vpop (erf)  }
0x74: {  	v1 =	vadd.f32 $-1.000000000e+00, v1;
	v19 =	vmul.f32 v19, v2;
	_ =	sdelay $0x1  }
0x75: {  	v1 =	vadd.f32 v19, v1;
	_ =	sdelay $0x1  }
0x76: {  	v19 =	vsub.f32 $0.0e+00, v1;
	_ =	sdelay $0x1  }
0x77: {  	v19 =	vmul.f32 $1.442695020e+00, v19;
	_ =	sdelay $0x1  }
0x78: {  	(erf) = vpow2.f32 v19;
	_ =	sdelay $0x8  }
0x79: {  	v19 =	vpop (erf)  }
0x7a: {  	v1 =	vadd.f32 $-1.000000000e+00, v1;
	v19 =	vmul.f32 v19, v2;
	_ =	sdelay $0x1  }
0x7b: {  	v1 =	vadd.f32 v19, v1;
	_ =	sdelay $0x1  }
0x7c: {  	v19 =	vsub.f32 $0.0e+00, v1;
	_ =	sdelay $0x1  }
0x7d: {  	v19 =	vmul.f32 $1.442695020e+00, v19  }
0x7e: {  	[tilespmem:s17+$0xB480] =	vst v56  }
0x7f: {  	[tilespmem:s17+$0xB490] =	vst v5;
	(erf) = vpow2.f32 v19  }
0x80: {  	[tilespmem:s17+$0xB4A0] =	vst v4  }
0x81: {  	[tilespmem:s17+$0xB4B0] =	vst v57  }
0x82: {  	[tilespmem:s17+$0xB4C0] =	vst v6  }
0x83: {  	[tilespmem:s17+$0xB4D0] =	vst v58  }
0x84: {  	[tilespmem:s17+$0xB4E0] =	vst v3  }
0x85: {  	[tilespmem:s17+$0xB4F0] =	vst v7  }
0x86: {  	[tilespmem:s18+$0xB480] =	vst v59  }
0x87: {  	[tilespmem:s18+$0xB490] =	vst v60  }
0x88: {  	[tilespmem:s18+$0xB4A0] =	vst v61;
	v3 =	vpop (erf)  }
0x89: {  	[tilespmem:s18+$0xB4B0] =	vst v62;
	v1 =	vadd.f32 $-1.000000000e+00, v1;
	v3 =	vmul.f32 v3, v2  }
0x8a: {  	[tilespmem:s18+$0xB4C0] =	vst v63  }
0x8b: {  	[tilespmem:s18+$0xB4D0] =	vst v16;
	v1 =	vadd.f32 v3, v1  }
0x8c: {  	v5 =	vimm.f32 $0.0e+00;
	[tilespmem:s18+$0xB4E0] =	vst v17  }
0x8d: {  	v4 =	vimm.f32 $0.0e+00;
	s17 =	simm.s32 $0x0;
	[tilespmem:s18+$0xB4F0] =	vst v18;
	v2 =	vmul.f32 $8.500000230e-01, v2;
	v3 =	vadd.f32 $-9.865439410e+00, v1  }
.LBB2_7:
0x8e: {  	_ = 	snop  }
0x8f: {  	v6 =	vadd.f32 v5, v3;
	_ =	sdelay $0x1  }
0x90: {  	v6 =	vmul.f32 $5.000000000e-01, v6;
	_ =	sdelay $0x1  }
0x91: {  	v7 =	vmul.f32 $1.442695020e+00, v6;
	_ =	sdelay $0x1  }
0x92: {  	(erf) = vpow2.f32 v7  }
0x93: {  	s19 =	simm.s32 $0x0  }
0x94: {  	v11 =	vld [tilespmem:s19+$0xB490]  }
0x95: {  	v9 =	vld [tilespmem:s19+$0xB480]  }
0x96: {  	v10 =	vld [tilespmem:s19+$0xB4A0]  }
0x97: {  	v12 =	vld [tilespmem:s19+$0xB4B0]  }
0x98: {  	v20 =	vld [tilespmem:s19+$0xB4D0]  }
0x99: {  	v19 =	vld [tilespmem:s19+$0xB4C0]  }
0x9a: {  	v13 =	vld [tilespmem:s19+$0xB4E0]  }
0x9b: {  	v14 =	vld [tilespmem:s19+$0xB4F0];
	v7 =	vpop (erf)  }
0x9c: {  	s18 =	simm.s32 $0x80;
	vm0 =	vgt.f32 v9, v7;
	vm1 =	vgt.f32 v11, v7;
	vm2 =	vgt.f32 v10, v7  }
0x9d: {  	v8 =	vld [tilespmem:s18+$0xB490];
	vm3 =	vgt.f32 v20, v7;
	v17 =	vnsel vm0, $0x0, v9;
	v10 =	vnsel vm2, $0x0, v10  }
0x9e: {  	vm0 =	vgt.f32 v12, v7;
	v9 =	vld [tilespmem:s18+$0xB480];
	vm2 =	vgt.f32 v19, v7;
	v11 =	vnsel vm1, $0x0, v11  }
0x9f: {  	v15 =	vadd.f32 v10, v4;
	v12 =	vnsel vm0, $0x0, v12;
	vm0 =	vgt.f32 v13, v7;
	v10 =	vld [tilespmem:s18+$0xB4A0]  }
0xa0: {  	v12 =	vadd.f32 v12, v4;
	v16 =	vnsel vm0, $0x0, v13;
	vm0 =	vgt.f32 v14, v7;
	v13 =	vld [tilespmem:s18+$0xB4B0]  }
0xa1: {  	v18 =	vadd.f32 v17, v4;
	v15 =	vadd.f32 v16, v15;
	v16 =	vnsel vm0, $0x0, v14;
	v14 =	vld [tilespmem:s18+$0xB4E0]  }
0xa2: {  	v20 =	vnsel vm3, $0x0, v20;
	v17 =	vadd.f32 v11, v4;
	v16 =	vadd.f32 v16, v12;
	v12 =	vld [tilespmem:s18+$0xB4F0]  }
0xa3: {  	s19 =	simm.s32 $0x400;
	v19 =	vnsel vm2, $0x0, v19;
	v11 =	vld [tilespmem:s18+$0xB4C0];
	vm0 =	vgt.f32 v8, v7;
	vm1 =	vgt.f32 v9, v7  }
.LBB2_8:
0xa4: {  	p0 =	sne.s32 s19, $0x2D000;
	vm2 =	vgt.f32 v10, v7;
	v21 =	vld [tilespmem:s18+$0xB4D0];
	s18 =	sshra.s32 s19, $0x2;
	s19 =	sadd.s32 $0x200, s19;
	v18 =	vadd.f32 v19, v18;
	v17 =	vadd.f32 v20, v17  }
0xa5: {  	v19 =	vnsel vm1, $0x0, v9;
	v20 =	vld [tilespmem:s18+$0xB490];
	v10 =	vnsel vm2, $0x0, v10;
	vm1 =	vgt.f32 v13, v7  }
0xa6: {  	v9 =	vld [tilespmem:s18+$0xB480];
	v15 =	vadd.f32 v10, v15;
	v13 =	vnsel vm1, $0x0, v13;
	vm1 =	vgt.f32 v14, v7  }
.Ltmp2:
0xa7: {  	v10 =	vld [tilespmem:s18+$0xB4A0];
	v16 =	vadd.f32 v13, v16;
	v14 =	vnsel vm1, $0x0, v14;
	vm1 =	vgt.f32 v12, v7;
	(pc) =	sbr.rel @p0 .LBB2_8-.Ltmp2, $4  }
0xa8: {  	v13 =	vld [tilespmem:s18+$0xB4B0];
	vm2 =	vgt.f32 v11, v7;
	v15 =	vadd.f32 v14, v15;
	v12 =	vnsel vm1, $0x0, v12  }
0xa9: {  	v22 =	vnsel vm0, $0x0, v8;
	v14 =	vld [tilespmem:s18+$0xB4E0];
	vm3 =	vgt.f32 v21, v7;
	v16 =	vadd.f32 v12, v16  }
0xaa: {  	v18 =	vadd.f32 v19, v18;
	v17 =	vadd.f32 v22, v17;
	v19 =	vnsel vm2, $0x0, v11;
	v12 =	vld [tilespmem:s18+$0xB4F0];
	v8 =	vmovc v20  }
0xab: {  	v20 =	vnsel vm3, $0x0, v21;
	vm1 =	vgt.f32 v9, v7;
	vm0 =	vgt.f32 v8, v7;
	v11 =	vld [tilespmem:s18+$0xB4C0]  }
0xac: {  	vm2 =	vgt.f32 v10, v7  }
0xad: {  	v21 =	vld [tilespmem:s18+$0xB4D0];
	v18 =	vadd.f32 v19, v18;
	v9 =	vnsel vm1, $0x0, v9;
	v17 =	vadd.f32 v20, v17  }
0xae: {  	v8 =	vnsel vm0, $0x0, v8;
	vm10 =	vgt.f32 v13, v7;
	v10 =	vnsel vm2, $0x0, v10  }
0xaf: {  	v13 =	vnsel vm10, $0x0, v13;
	v10 =	vadd.f32 v10, v15;
	vm11 =	vgt.f32 v14, v7  }
0xb0: {  	v8 =	vadd.f32 v8, v17;
	v13 =	vadd.f32 v13, v16;
	v14 =	vnsel vm11, $0x0, v14  }
0xb1: {  	vm12 =	vgt.f32 v12, v7;
	vm13 =	vgt.f32 v11, v7;
	v10 =	vadd.f32 v14, v10  }
0xb2: {  	v12 =	vnsel vm12, $0x0, v12;
	vm14 =	vgt.f32 v21, v7;
	v7 =	vadd.f32 v9, v18  }
0xb3: {  	v61 =	vadd.f32 v12, v13;
	v11 =	vnsel vm13, $0x0, v11;
	v62 =	vnsel vm14, $0x0, v21  }
0xb4: {  	v7 =	vadd.f32 v11, v7;
	v8 =	vadd.f32 v62, v8  }
0xb5: {  	s17 =	sadd.s32 $0x1, s17  }
0xb6: {  	p0 =	sne.s32 s17, $0x10;
	v63 =	vadd.f32 v61, v10;
	v7 =	vadd.f32 v8, v7  }
.Ltmp3:
0xb7: {  	_ = 	snop;
	(pc) =	sbr.rel @p0 .LBB2_7-.Ltmp3, $3  }
0xb8: {  	v7 =	vadd.f32 v63, v7;
	_ =	sdelay $0x1  }
0xb9: {  	vm15 =	vge.f32 v7, v2  }
0xba: {  	v3 =	vsel vm15, v6, v3;
	v5 =	vsel vm15, v5, v6  }
0xbb: {  	s17 =	simm.s32 $0x0;
	v2 =	vmul.f32 $1.442695020e+00, v3  }
0xbc: {  	v4 =	vld [tilespmem:s17+$0xB4F0]  }
0xbd: {  	v5 =	vld [tilespmem:s17+$0x30];
	(erf) = vpow2.f32 v2  }
0xbe: {  	v8 =	vld [tilespmem:s17+$0x50]  }
0xbf: {  	v2 =	vld [tilespmem:s17+$0x70]  }
0xc0: {  	v9 =	vld [tilespmem:s17+$0x20]  }
0xc1: {  	v11 =	vld [tilespmem:s17+$0x10]  }
0xc2: {  	v1 =	vadd.f32 v1, v0;
	v7 =	vld [tilespmem:s17+$0xB4B0]  }
0xc3: {  	v10 =	vld [tilespmem:s17+$0x60]  }
0xc4: {  	v3 =	vld [tilespmem:s17+$0x0];
	v2 =	vsub.f32 v2, v1  }
0xc5: {  	v13 =	vld [tilespmem:s17+$0x40];
	v12 =	vsub.f32 v5, v1;
	v8 =	vsub.f32 v8, v1  }
0xc6: {  	v5 =	vld [tilespmem:s17+$0xB4A0];
	v15 =	vsub.f32 v9, v1;
	v9 =	vsub.f32 v11, v1;
	v2 =	vmax.f32 v2, $-7.000000000e+01;
	v0 =	vpop (erf)  }
0xc7: {  	v6 =	vld [tilespmem:s17+$0xB4D0];
	v12 =	vmax.f32 v12, $-7.000000000e+01;
	v14 =	vmin.f32 v2, $0.0e+00;
	vm0 =	vgt.f32 v4, v0  }
0xc8: {  	v12 =	vmin.f32 v12, $0.0e+00;
	v2 =	vld [tilespmem:s17+$0xB480];
	vm1 =	vgt.f32 v7, v0;
	v14 =	vnsel vm0, $0xC28C0000, v14  }
0xc9: {  	v4 =	vld [tilespmem:s17+$0xB4C0];
	v7 =	vsub.f32 v10, v1;
	v10 =	vnsel vm1, $0xC28C0000, v12;
	[tilespmem:s17+$0xB4F0] =	vst v14;
	v14 =	vmax.f32 v8, $-7.000000000e+01  }
0xca: {  	s18 =	simm.s32 $0x200;
	v11 =	vsub.f32 v13, v1;
	v12 =	vmax.f32 v15, $-7.000000000e+01;
	v8 =	vld [tilespmem:s17+$0xB490];
	[tilespmem:s17+$0xB4B0] =	vst v10;
	v10 =	vmin.f32 v14, $0.0e+00  }
.LBB2_11:
0xcb: {  	s19 =	sshra.s32 s18, $0x2;
	p0 =	sne.s32 s18, $0x2D000;
	s18 =	sadd.s32 $0x200, s18;
	v3 =	vsub.f32 v3, v1;
	v12 =	vmin.f32 v12, $0.0e+00;
	vm0 =	vgt.f32 v5, v0;
	v5 =	vld [tilespmem:s17+$0xB4E0]  }
0xcc: {  	v13 =	vld [tilespmem:s19+$0xB4F0];
	v12 =	vnsel vm0, $0xC28C0000, v12;
	v11 =	vmax.f32 v11, $-7.000000000e+01;
	vm0 =	vgt.f32 v6, v0  }
0xcd: {  	v14 =	vld [tilespmem:s19+$0xB4B0];
	v3 =	vmax.f32 v3, $-7.000000000e+01;
	vm1 =	vgt.f32 v2, v0;
	v2 =	vmax.f32 v9, $-7.000000000e+01;
	[tilespmem:s17+$0xB4A0] =	vst v12  }
0xce: {  	v7 =	vmax.f32 v7, $-7.000000000e+01;
	v9 =	vmin.f32 v11, $0.0e+00;
	v6 =	vld [tilespmem:s19+$0x70];
	v3 =	vmin.f32 v3, $0.0e+00  }
0xcf: {  	vm3 =	vgt.f32 v4, v0;
	v4 =	vnsel vm0, $0xC28C0000, v10;
	v11 =	vld [tilespmem:s19+$0x30];
	vm2 =	vgt.f32 v8, v0  }
0xd0: {  	v2 =	vmin.f32 v2, $0.0e+00;
	v9 =	vnsel vm3, $0xC28C0000, v9;
	v8 =	vld [tilespmem:s19+$0x50];
	[tilespmem:s17+$0xB4D0] =	vst v4;
	v4 =	vmin.f32 v7, $0.0e+00  }
0xd1: {  	v10 =	vnsel vm1, $0xC28C0000, v3;
	v2 =	vnsel vm2, $0xC28C0000, v2;
	vm0 =	vgt.f32 v5, v0;
	v7 =	vld [tilespmem:s19+$0x20];
	[tilespmem:s17+$0xB4C0] =	vst v9  }
0xd2: {  	v9 =	vld [tilespmem:s19+$0x60];
	[tilespmem:s17+$0xB490] =	vst v2;
	v2 =	vnsel vm0, $0xC28C0000, v4  }
0xd3: {  	v3 =	vld [tilespmem:s19+$0x0];
	v4 =	vsub.f32 v6, v1;
	[tilespmem:s17+$0xB4E0] =	vst v2  }
0xd4: {  	v12 =	vld [tilespmem:s19+$0x10];
	v2 =	vsub.f32 v11, v1;
	[tilespmem:s17+$0xB480] =	vst v10;
	s17 =	smov.u32 s19  }
0xd5: {  	v10 =	vld [tilespmem:s17+$0x40];
	v4 =	vmax.f32 v4, $-7.000000000e+01  }
.Ltmp4:
0xd6: {  	vm0 =	vgt.f32 v13, v0;
	v5 =	vld [tilespmem:s17+$0xB4A0];
	v2 =	vmax.f32 v2, $-7.000000000e+01;
	v4 =	vmin.f32 v4, $0.0e+00;
	(pc) =	sbr.rel @p0 .LBB2_11-.Ltmp4, $4  }
0xd7: {  	v8 =	vsub.f32 v8, v1;
	v11 =	vsub.f32 v7, v1;
	v13 =	vmin.f32 v2, $0.0e+00;
	v6 =	vld [tilespmem:s17+$0xB4D0]  }
0xd8: {  	vm1 =	vgt.f32 v14, v0;
	v7 =	vsub.f32 v9, v1;
	v14 =	vnsel vm0, $0xC28C0000, v4;
	v2 =	vld [tilespmem:s17+$0xB480]  }
0xd9: {  	v15 =	vmax.f32 v8, $-7.000000000e+01;
	v13 =	vnsel vm1, $0xC28C0000, v13;
	v9 =	vsub.f32 v12, v1;
	v4 =	vld [tilespmem:s17+$0xB4C0];
	[tilespmem:s17+$0xB4F0] =	vst v14  }
0xda: {  	v12 =	vmax.f32 v11, $-7.000000000e+01;
	v8 =	vld [tilespmem:s17+$0xB490];
	[tilespmem:s17+$0xB4B0] =	vst v13;
	v11 =	vsub.f32 v10, v1;
	v10 =	vmin.f32 v15, $0.0e+00  }
0xdb: {  	v1 =	vsub.f32 v3, v1;
	v54 =	vmin.f32 v12, $0.0e+00;
	vm0 =	vgt.f32 v5, v0  }
0xdc: {  	v55 =	vld [tilespmem:s17+$0xB4E0];
	v56 =	vmax.f32 v9, $-7.000000000e+01;
	v58 =	vmax.f32 v7, $-7.000000000e+01;
	v3 =	vnsel vm0, $0xC28C0000, v54  }
0xdd: {  	v11 =	vmax.f32 v11, $-7.000000000e+01;
	vm12 =	vgt.f32 v6, v0;
	v6 =	vmin.f32 v56, $0.0e+00  }
0xde: {  	v57 =	vmin.f32 v11, $0.0e+00;
	[tilespmem:s17+$0xB4A0] =	vst v3;
	v59 =	vnsel vm12, $0xC28C0000, v10;
	vm1 =	vgt.f32 v4, v0  }
0xdf: {  	s18 =	sshll.u32 s16, $0x4;
	v1 =	vmax.f32 v1, $-7.000000000e+01;
	[tilespmem:s17+$0xB4D0] =	vst v59;
	vm13 =	vgt.f32 v8, v0;
	v60 =	vnsel vm1, $0xC28C0000, v57  }
0xe0: {  	s18 =	sand.u32 $0x3F0, s18;
	vm15 =	vgt.f32 v2, v0;
	v62 =	vmin.f32 v1, $0.0e+00;
	v61 =	vnsel vm13, $0xC28C0000, v6;
	[tilespmem:s17+$0xB4C0] =	vst v60  }
0xe1: {  	p0 =	seq.s32 s15, $0x7;
	v3 =	vmin.f32 v58, $0.0e+00;
	s18 =	sor.u32 s3, s18;
	vm14 =	vgt.f32 v55, v0;
	v0 =	vnsel vm15, $0xC28C0000, v62;
	[tilespmem:s17+$0xB490] =	vst v61  }
0xe2: {  	s16 =	sadd.s32 @!p0 $0x1, s16;
	s18 =	sshrl.u32 s18, $0x3;
	v63 =	vnsel vm14, $0xC28C0000, v3;
	[tilespmem:s17+$0xB480] =	vst v0  }
0xe3: {  	s31 =	sadd.s32 s6, s18;
	[tilespmem:s17+$0xB4E0] =	vst v63;
	s17 =	sshrl.u32 @!p0 s16, $0x6  }
0xe4: {  	[hbm4b:s31+s9] =	stream.strided.scatter [tilespmem:s12], [sflag:$0x2], $0xB480, s10, s9, $0x38;
	[tilespmem:$0x16900] =	vst v63  }
0xe5: {  	s16 =	sshll.u32 @!p0 s16, $0x4;
	s17 =	smul.u32 @!p0 $0x2D2000, s17  }
0xe6: {  	s16 =	sand.u32 @!p0 $0x3F0, s16  }
0xe7: {  	s16 =	sor.u32 @!p0 s16, s17  }
0xe8: {  	s15 =	sadd.s32 @!p0 $0x1, s15;
	s16 =	sadd.s32 @!p0 $0x21D8000, s16  }
0xe9: {  	s19 =	simm.s32 @!p0 $0x0;
	p1 =	sne.s32 @!p0 s15, $0x8;
	s16 =	sshrl.u32 @!p0 s16, $0x3  }
0xea: {  	s18 =	simm.s32 @!p0 $0x400;
	s17 =	simm.s32 @!p0 $0x10;
	s16 =	sadd.s32 @!p0 s5, s16  }
0xeb: {  	[tilespmem:s19], [sflag:$0x1] =	stream.strided.gather @!p0 [hbm4b:s16+s17], $0xB480, s18, s17, $0x38;
	[tilespmem:$0x16900] =	vst v63  }
0xec: {  	p0 =	por p0, !p1  }
.Ltmp5:
0xed: {  	_ = 	snop;
	(pc) =	sbr.rel @!p0 .LBB2_2-.Ltmp5, $1  }
0xee: {  	_ =	sdelay $0x3  }
0xef: {  	s14 =	sadd.s32 $0x1, s14  }
0xf0: {  	p0 =	sne.s32 s14, s8  }
.Ltmp6:
0xf1: {  	_ = 	snop;
	(pc) =	sbr.rel @p0 .LBB2_1-.Ltmp6, $4  }
0xf2: {  	_ = 	snop  }
0xf3: {  	_ =	swait.ge [sflag:s13], $0xB480  }
0xf4: {  	[sflag:s13] =	ssyncset.done $0x0  }
0xf5: {  	[sflag:s13] =	ssyncadd.s32 $0xFFFF4B80  }
0xf6: {  	_ =	sfence.sel $0x180000  }
0xf7: {  	[bflag:$0x0] =	sbarrier.arrive $0xFFFF  }
0xf8: {  	p0 =	sne.s32 s0, $0x0;
	_ =	strace $0x9000004A  }
0xf9: {  	s0 =	sadd.s32 @!p0 $0x100000, s1;
	[bflag:$0x2] =	sbarrier.arrive $0xFFFF  }
0xfa: {  	[sflag:s0] =	ssyncadd.tile.s32 @!p0 $0x1;
	_ =	shalt  }
.Lfunc_end2:
_tile_overlayer_lowered:
.L_overlay_start_2:
0xfb: {  	(tag) =	ssettag $0x2  }
0xfc: {  	s0 =	rddreg [dreg:$0x0];
	s2 =	stileid.u32  }
0xfd: {  	s1 =	rddreg [dreg:$0x1];
	p0 =	sne.s32 s2, $0x0  }
0xfe: {  	s3 =	rddreg [dreg:$0x2];
	[bflag:$0x3] =	sbarrier.arrive $0xFFFF;
	s2 =	simm.s32 @!p0 $0x1C03  }
0xff: {  	[timem:s3], [sflag:s2] =	dma.local @!p0 [hbm:s0], s1  }
0x100: {  	s0 =	simm.s32 @!p0 $0x3  }
0x101: {  	_ =	swait.ge @!p0 [sflag:s0], s1  }
0x102: {  	s1 =	ssub.s32 @!p0 $0x0, s1;
	[sflag:s0] =	ssyncset.done @!p0 $0x0  }
0x103: {  	[sflag:s0] =	ssyncadd.s32 @!p0 s1  }
0x104: {  	[bflag:$0x3] =	sbarrier.arrive $0xFFFF  }
0x105: {  	_ =	shalt  }

// kernel: sparse-core-data-format-call.cloned.1.call-start
scs
called_computation_lowered:
.L_overlay_start_0:
0x0: {  	s2 =	sld [smem:$0x3FD9]  }
0x1: {  	s3 =	sld [smem:$0x3FFE];
	_ =	sdelay $0x1  }
0x2: {  	s1 =	srdreg.scid  }
0x3: {  	s0 =	sand.u32 $0x1, s1  }
0x4: {  	s18 =	sshll.u32 s0, $0xA;
	s2 =	sadd.s32 s3, s2  }
0x5: {  	s2 =	sadd.s32 s2, s18  }
0x6: {  	[smem:$0x3FC7] =	sst s2  }
0x7: {  	_ = 	snop  }
0x8: {  	s2 =	sld [smem:$0x3FC9];
	(tm) =	ssettm $0x1  }
0x9: {  	s19 =	sld [smem:$0x3FFB];
	_ =	sdelay $0x3  }
0xa: {  	_ =	strace s19  }
0xb: {  	s3 =	sld [smem:$0x3FFC];
	_ =	sdelay $0x3  }
0xc: {  	_ =	strace s3  }
0xd: {  	s3 =	sld [smem:$0x3FFD];
	_ =	sdelay $0x3  }
0xe: {  	_ =	strace s3  }
0xf: {  	_ =	strace $0x8FFFFFFF  }
0x10: {  	s20 =	sld [smem:$0x3FDB];
	_ =	sdelay $0x1  }
0x11: {  	s4 =	simm.s32 $_scs_section_size  }
0x12: {  	s5 =	simm.s32 $_size__tile_overlayer_lowered;
	s6 =	simm.s32 $_tile_overlayer_lowered  }
0x13: {  	s23 =	simm.s32 $0x1BFF;
	s22 =	sshll.u32 s6, $0x1;
	s3 =	sadd.s32 s4, s20  }
0x14: {  	s7 =	simm.s32 $0x0;
	s21 =	sshll.u32 s5, $0x1;
	s5 =	sadd.s32 s22, s3  }
0x15: {  	[timem:s7], [sflag:s23] =	dma.local [hbm:s5], s21  }
0x16: {  	_ =	swait.ge [sflag:s23], s21  }
0x17: {  	s4 =	ssub.s32 $0x0, s21;
	[sflag:s23] =	ssyncset.done $0x0  }
0x18: {  	[sflag:s23] =	ssyncadd.s32 s4;
	_ =	sdelay $0x1  }
0x19: {  	s24 =	simm.s32 $0x1B8B  }
0x1a: {  	_ =	swait.ge [sflag:s24], $0x1  }
0x1b: {  	[sflag:s24] =	ssyncset.done $0x0  }
0x1c: {  	s26 =	simm.s32 $0x1B8E;
	s25 =	sld [smem:$0x3FFE];
	[sflag:s24] =	ssyncadd.s32 $0xFFFFFFFF  }
0x1d: {  	s27 =	simm.s32 $execute0_lowered;
	[smem:$0x3FD2] =	sst s26  }
0x1e: {  	s5 =	sshll.u32 s27, $0x1;
	_ =	strace $0x80000046;
	[dreg:$0x1] =	wrdreg $0xFFFFFFFF  }
0x1f: {  	s28 =	simm.s32 $_size_execute0_lowered;
	s3 =	sadd.s32 s3, s5;
	[dreg:$0x0] =	wrdreg $0x0  }
0x20: {  	s5 =	sshll.u32 s28, $0x1;
	[dreg:$0x2] =	wrdreg s3  }
0x21: {  	[dreg:$0x3] =	wrdreg s5  }
0x22: {  	[dreg:$0x4] =	wrdreg $0xC0  }
0x23: {  	_ =	task [dreg:s7], $0x5FFFF  }
0x24: {  	[dreg:$0x1] =	wrdreg $0xFFFFFFFF  }
0x25: {  	[dreg:$0x0] =	wrdreg $0x60  }
0x26: {  	[dreg:$0x2] =	wrdreg s2  }
0x27: {  	[dreg:$0x3] =	wrdreg s25  }
0x28: {  	[dreg:$0x4] =	wrdreg $0x9  }
0x29: {  	_ =	task.clear_ibuf [dreg:s7], $0x5FFFF;
	_ =	strace $0x90000046  }
0x2a: {  	s29 =	simm.s32 $0x9;
	_ =	strace $0x80000048  }
0x2b: {  	_ =	swait.ge [sflag:s29], $0x1  }
0x2c: {  	[sflag:s29] =	ssyncadd.s32 $0xFFFFFFFF  }
0x2d: {  	_ =	strace $0x90000048  }
0x2e: {  	_ =	sfence  }
0x2f: {  	s30 =	sld [smem:$0x0];
	_ =	sdelay $0x2  }
0x30: {  	s31 =	sshll.u32 s1, $0xD;
	s1 =	sshrl.u32 s1, $0x2  }
0x31: {  	s3 =	sand.u32 $0x4000, s31;
	s1 =	sadd.s32 s1, s30  }
0x32: {  	s0 =	sor.u32 s3, s0;
	s1 =	sshll.u32 s1, $0x11  }
0x33: {  	s0 =	sor.u32 s1, s0  }
0x34: {  	s0 =	sadd.s32 $0x8F2B, s0  }
0x35: {  	[sflag:s0] =	ssyncadd.remote.s32 $0x1  }
0x36: {  	_ =	sfence.sel $0xFFFF  }
0x37: {  	[dreg:$0x0] =	wrdreg $0xFFFFFFFF;
	(pc) =	sbr.abs _section_cstart, $3  }
0x38: {  	[dreg:$0x1] =	wrdreg $0xFFFFFFFF  }
0x39: {  	_ =	task.clear_ibuf [dreg:s7], $0x2FFFF;
	_ =	strace $0x9FFFFFFF  }
0x3a: {  	(tm) =	ssettm $0x7FFFFFFF  }
0x3b: {  	_ =	shalt  }
tec
execute0_lowered:
.L_overlay_start_1:
0x0: {  	(tag) =	ssettag $0x1  }
0x1: {  	s0 =	srdreg.scid  }
0x2: {  	s1 =	sshll.u32 s0, $0x4  }
0x3: {  	s2 =	rddreg [dreg:$0x0];
	s0 =	stileid.u32;
	s1 =	sand.u32 $0x10, s1  }
0x4: {  	s4 =	rddreg [dreg:$0x1];
	s7 =	simm.s32 $0x1;
	s1 =	sor.u32 s0, s1  }
0x5: {  	s8 =	simm.s32 $0x2;
	s9 =	simm.s32 $0x0;
	s3 =	sshll.u32 s1, $0x1  }
0x6: {  	s12 =	simm.s32 $0x0;
	s11 =	simm.s32 $0x0;
	s6 =	ssub.s32 $0x1690, s3  }
.Ltmp0:
0x7: {  	s4 =	sadd.s32 $0x800, s4;
	s5 =	sand.u32 $0x3E, s6;
	(pc) =	sbr.rel .LBB1_1-.Ltmp0, $4  }
0x8: {  	s1 =	rddreg [dreg:$0x2];
	_ =	strace $0x80000047;
	p0 =	sne.s32 s5, $0x0  }
0x9: {  	s6 =	sshrl.u32 s6, $0x6;
	s5 =	simm.s32 $0x1;
	s7 =	simm.s32 @!p0 $0x0  }
0xa: {  	s10 =	smov.u32 s3;
	[sflag:s5] =	ssyncpa.u1 $0x0;
	s6 =	sadd.s32 s7, s6  }
0xb: {  	[sflag:s8] =	ssyncpa.u1 $0x0;
	s8 =	simm.s32 $0x0;
	s7 =	sadd.s32 $0x1, s6  }
.LBB1_9:
0xc: {  	s14 =	sadd.s32 $0x40, s10  }
0xd: {  	p1 =	sgt.s32 s14, $0x168F  }
0xe: {  	s14 =	smov.u32 @p1 s3;
	p1 =	sne.s32 s11, s7  }
.Ltmp1:
0xf: {  	p0 =	slt.u32 s11, $0x2;
	(pc) =	sbr.rel @!p1 .LBB1_10-.Ltmp1, $4  }
0x10: {  	s13 =	simm.s32 @!p0 $0x2  }
0x11: {  	s15 =	sadd.s32 $0x1, s11;
	_ =	swait.ge @!p0 [sflag:s13], $0x4000  }
0x12: {  	s12 =	smov.u32 s10;
	s9 =	sadd.s32 $0x4000, s9;
	[sflag:s13] =	ssyncset.done @!p0 $0x0  }
0x13: {  	s11 =	smov.u32 s15;
	s10 =	smov.u32 s14;
	[sflag:s13] =	ssyncadd.s32 @!p0 $0xFFFFC000  }
.LBB1_1:
0x14: {  	p0 =	sge.u32 s11, s6  }
0x15: {  	s13 =	sxor.u32 @!p0 $0xFFFFFFFF, s11  }
0x16: {  	s31 =	sadd.s32 $0xFFFFFFFF, s11;
	s14 =	sshll.u32 @!p0 s10, $0xA;
	s13 =	sshll.u32 @!p0 s13, $0xE  }
0x17: {  	s15 =	simm.s32 @!p0 $0x0;
	s14 =	sadd.s32 @!p0 s2, s14;
	s13 =	sand.u32 @!p0 $0x4000, s13  }
0x18: {  	[tilespmem:s13], [sflag:$0x1] =	stream.linear.gather @!p0 [hbm4b:s14+s15], $0x4000, $0x38;
	[tilespmem:$0x10000] =	vst v63  }
0x19: {  	p0 =	sge.u32 s31, s6  }
.Ltmp2:
0x1a: {  	_ = 	snop;
	(pc) =	sbr.rel @p0 .LBB1_9-.Ltmp2, $1  }
0x1b: {  	_ =	sdelay $0x3  }
0x1c: {  	s13 =	sshll.u32 s9, $0x2  }
0x1d: {  	_ =	swait.ge [sflag:s5], $0x4000;
	s14 =	sshll.u32 s11, $0xE;
	s16 =	simm.s32 $0x0  }
0x1e: {  	p1 =	por $0x1, $0x1;
	s13 =	sand.u32 $0x10000, s13;
	[sflag:s5] =	ssyncset.done $0x0  }
0x1f: {  	s14 =	sand.u32 $0x4000, s14;
	s15 =	sshrl.u32 s13, $0x2;
	[sflag:s5] =	ssyncadd.s32 $0xFFFFC000  }
0x20: {  	s13 =	sor.u32 $0x8000, s14;
	s14 =	sadd.s32 $0x8040, s15;
	s15 =	sadd.s32 $0x40, s15  }
.LBB1_3:
0x21: {  	s16 =	sshll.u32 s16, $0x2  }
0x22: {  	p0 =	por p1, p1;
	s17 =	sshra.s32 s16, $0x2  }
0x23: {  	s18 =	simm.s32 $0x0;
	s16 =	sadd.s32 s17, s14;
	s17 =	sadd.s32 s17, s15  }
.LBB1_4:
0x24: {  	v0 =	vmov s17;
	_ =	sdelay $0x3  }
0x25: {  	s20 =	simm.s32 $0x0  }
0x26: {  	v6 =	vld.idx.msk [tilespmem:v0+s20+$0x30 ss:$0x1], $0xffff  }
0x27: {  	v7 =	vld.idx.msk [tilespmem:v0+s20+$0xFFFFFFC0 ss:$0x1], $0xffff  }
0x28: {  	v5 =	vld.idx.msk [tilespmem:v0+s20+$0xFFFFFFD0 ss:$0x1], $0xffff  }
0x29: {  	v4 =	vld.idx.msk [tilespmem:v0+s20+$0xFFFFFFE0 ss:$0x1], $0xffff  }
0x2a: {  	v3 =	vld.idx.msk [tilespmem:v0+s20+$0xFFFFFFF0 ss:$0x1], $0xffff  }
0x2b: {  	v1 =	vld.idx.msk [tilespmem:v0+s20+$0x0 ss:$0x1], $0xffff  }
0x2c: {  	v2 =	vld.idx.msk [tilespmem:v0+s20+$0x10 ss:$0x1], $0xffff;
	[tilespmem:s16+$0x30] =	vst v6  }
0x2d: {  	s19 =	simm.s32 $0x80;
	s21 =	simm.s32 $0x400;
	[tilespmem:s16+$0xFFFFFFC0] =	vst v7;
	v6 =	vld.idx.msk [tilespmem:v0+s20+$0x20 ss:$0x1], $0xffff;
	s20 =	smov.u32 s16  }
.LBB1_5:
0x2e: {  	p1 =	sne.s32 s21, $0xE00;
	v7 =	vld.idx.msk [tilespmem:v0+s19+$0x30 ss:$0x1], $0xffff;
	[tilespmem:s20+$0xFFFFFFD0] =	vst v5  }
0x2f: {  	v8 =	vld.idx.msk [tilespmem:v0+s19+$0xFFFFFFC0 ss:$0x1], $0xffff;
	[tilespmem:s20+$0xFFFFFFE0] =	vst v4  }
0x30: {  	v5 =	vld.idx.msk [tilespmem:v0+s19+$0xFFFFFFD0 ss:$0x1], $0xffff;
	[tilespmem:s20+$0xFFFFFFF0] =	vst v3  }
.Ltmp3:
0x31: {  	v4 =	vld.idx.msk [tilespmem:v0+s19+$0xFFFFFFE0 ss:$0x1], $0xffff;
	[tilespmem:s20+$0x0] =	vst v1;
	(pc) =	sbr.rel @p1 .LBB1_5-.Ltmp3, $4  }
0x32: {  	v3 =	vld.idx.msk [tilespmem:v0+s19+$0xFFFFFFF0 ss:$0x1], $0xffff;
	[tilespmem:s20+$0x10] =	vst v2  }
0x33: {  	v1 =	vld.idx.msk [tilespmem:v0+s19+$0x0 ss:$0x1], $0xffff;
	[tilespmem:s20+$0x20] =	vst v6;
	s20 =	sadd.s32 $0x400, s20  }
0x34: {  	v2 =	vld.idx.msk [tilespmem:v0+s19+$0x10 ss:$0x1], $0xffff;
	[tilespmem:s20+$0x30] =	vst v7  }
0x35: {  	[tilespmem:s20+$0xFFFFFFC0] =	vst v8;
	v6 =	vld.idx.msk [tilespmem:v0+s19+$0x20 ss:$0x1], $0xffff;
	s19 =	sshra.s32 s21, $0x2;
	s21 =	sadd.s32 $0x200, s21  }
0x36: {  	_ =	sdelay $0x2  }
0x37: {  	[tilespmem:s20+$0xFFFFFFD0] =	vst v5  }
0x38: {  	v56 =	vld.idx.msk [tilespmem:v0+s19+$0x30 ss:$0x1], $0xffff;
	[tilespmem:s20+$0xFFFFFFE0] =	vst v4  }
0x39: {  	v57 =	vld.idx.msk [tilespmem:v0+s19+$0xFFFFFFC0 ss:$0x1], $0xffff;
	[tilespmem:s20+$0xFFFFFFF0] =	vst v3  }
0x3a: {  	v58 =	vld.idx.msk [tilespmem:v0+s19+$0xFFFFFFD0 ss:$0x1], $0xffff;
	[tilespmem:s20+$0x0] =	vst v1  }
0x3b: {  	v59 =	vld.idx.msk [tilespmem:v0+s19+$0xFFFFFFE0 ss:$0x1], $0xffff;
	[tilespmem:s20+$0x10] =	vst v2  }
0x3c: {  	v60 =	vld.idx.msk [tilespmem:v0+s19+$0xFFFFFFF0 ss:$0x1], $0xffff;
	s31 =	sadd.s32 $0x400, s20;
	[tilespmem:s20+$0x20] =	vst v6  }
0x3d: {  	v61 =	vld.idx.msk [tilespmem:v0+s19+$0x0 ss:$0x1], $0xffff;
	[tilespmem:s31+$0x30] =	vst v56  }
0x3e: {  	v62 =	vld.idx.msk [tilespmem:v0+s19+$0x10 ss:$0x1], $0xffff;
	s18 =	sadd.s32 $0x1, s18;
	[tilespmem:s31+$0xFFFFFFC0] =	vst v57  }
0x3f: {  	v63 =	vld.idx.msk [tilespmem:v0+s19+$0x20 ss:$0x1], $0xffff;
	p1 =	sne.s32 s18, $0x8;
	[tilespmem:s31+$0xFFFFFFD0] =	vst v58  }
.Ltmp4:
0x40: {  	[tilespmem:s31+$0xFFFFFFE0] =	vst v59;
	(pc) =	sbr.rel @p1 .LBB1_4-.Ltmp4, $4  }
0x41: {  	[tilespmem:s31+$0xFFFFFFF0] =	vst v60  }
0x42: {  	[tilespmem:s31+$0x0] =	vst v61  }
0x43: {  	[tilespmem:s31+$0x10] =	vst v62  }
0x44: {  	s16 =	sadd.s32 $0x80, s16;
	s17 =	sadd.s32 $0x400, s17;
	[tilespmem:s31+$0x20] =	vst v63  }
.Ltmp5:
0x45: {  	(pc) =	sbr.rel @p0 .LBB1_3-.Ltmp5, $2  }
0x46: {  	_ =	sdelay $0x2  }
0x47: {  	s16 =	simm.s32 $0x2000;
	p1 =	por $0x0, $0x0  }
.Ltmp6:
0x48: {  	(pc) =	sbr.rel .LBB1_9-.Ltmp6, $4  }
0x49: {  	_ = 	snop  }
0x4a: {  	s12 =	sshll.u32 s12, $0xA  }
0x4b: {  	s12 =	sadd.s32 s4, s12  }
0x4c: {  	[hbm4b:s12+s8] =	stream.linear.scatter [tilespmem:s13], [sflag:$0x2], $0x4000, $0x38;
	[tilespmem:$0x10000] =	vst v63  }
.LBB1_10:
0x4d: {  	_ =	sfence.sel $0x180000  }
0x4e: {  	s2 =	simm.s32 $0x1;
	[bflag:$0x0] =	sbarrier.arrive $0xFFFF  }
0x4f: {  	s31 =	simm.s32 $0x2;
	[sflag:s2] =	ssyncpa.u1 $0x1  }
0x50: {  	[sflag:s31] =	ssyncpa.u1 $0x1  }
0x51: {  	p0 =	sne.s32 s0, $0x0;
	_ =	strace $0x90000047  }
0x52: {  	s0 =	sadd.s32 @!p0 $0x100000, s1;
	[bflag:$0x2] =	sbarrier.arrive $0xFFFF  }
0x53: {  	[sflag:s0] =	ssyncadd.tile.s32 @!p0 $0x1;
	_ =	shalt  }
.Lfunc_end1:
_tile_overlayer_lowered:
.L_overlay_start_2:
0x54: {  	(tag) =	ssettag $0x2  }
0x55: {  	s0 =	rddreg [dreg:$0x0];
	s2 =	stileid.u32  }
0x56: {  	s1 =	rddreg [dreg:$0x1];
	p0 =	sne.s32 s2, $0x0  }
0x57: {  	s3 =	rddreg [dreg:$0x2];
	[bflag:$0x3] =	sbarrier.arrive $0xFFFF;
	s2 =	simm.s32 @!p0 $0x1C01  }
0x58: {  	[timem:s3], [sflag:s2] =	dma.local @!p0 [hbm:s0], s1  }
0x59: {  	s0 =	simm.s32 @!p0 $0x1  }
0x5a: {  	_ =	swait.ge @!p0 [sflag:s0], s1  }
0x5b: {  	s1 =	ssub.s32 @!p0 $0x0, s1;
	[sflag:s0] =	ssyncset.done @!p0 $0x0  }
0x5c: {  	[sflag:s0] =	ssyncadd.s32 @!p0 s1  }
0x5d: {  	[bflag:$0x3] =	sbarrier.arrive $0xFFFF  }
0x5e: {  	_ =	shalt  }

</sc_bundles>
